<compile_context>
chip_gen: v7x
topology: tpu7x:2x2x1
jax: 0.10.2.dev20260603
libtpu: 0.0.44.dev20260713+nightly
codegen_flags: <defaults>
</compile_context>

<pallas_src>
import functools

import jax
import jax.numpy as jnp
from jax import lax
from jax.experimental import pallas as pl
from jax.experimental.pallas import tpu as pltpu
from jax.experimental.pallas import tpu_sc as plsc

EMBED = 64
NC = 2
NS = 16
NW = NC * NS
CH = 128
NBUF = 4


@functools.partial(jax.jit, static_argnames=("nch",))
def _sc_gather(seq3, table, nch):
    bpw = nch * CH
    mesh = plsc.VectorSubcoreMesh(core_axis_name="c", subcore_axis_name="s")

    @functools.partial(
        pl.kernel,
        mesh=mesh,
        out_type=jax.ShapeDtypeStruct((NW * bpw, EMBED), jnp.float32),
        scratch_types=[
            pltpu.VMEM((nch, CH), jnp.int32),
            pltpu.VMEM((NBUF, CH, EMBED), jnp.float32),
            pltpu.SemaphoreType.DMA,
        ],
        compiler_params=pltpu.CompilerParams(use_tc_tiling_on_sc=False),
    )
    def k(seq_hbm, tab_hbm, out_hbm, idx_v, rows_v, gsem):
        wid = lax.axis_index("s") * NC + lax.axis_index("c")
        base = wid * bpw
        pltpu.sync_copy(seq_hbm.at[wid], idx_v)

        for b in range(NBUF):
            pltpu.async_copy(tab_hbm.at[idx_v.at[b]], rows_v.at[b], gsem)

        def group(g, carry):
            for b in range(NBUF):
                i = g * NBUF + b
                pltpu.make_async_copy(
                    tab_hbm.at[idx_v.at[i]], rows_v.at[b], gsem
                ).wait()
                pltpu.sync_copy(
                    rows_v.at[b], out_hbm.at[pl.ds(base + i * CH, CH)]
                )
                pltpu.async_copy(
                    tab_hbm.at[idx_v.at[i + NBUF]], rows_v.at[b], gsem
                )
            return carry

        lax.fori_loop(0, nch // NBUF - 1, group, 0)

        for b in range(NBUF):
            i = nch - NBUF + b
            pltpu.make_async_copy(
                tab_hbm.at[idx_v.at[i]], rows_v.at[b], gsem
            ).wait()
            pltpu.sync_copy(rows_v.at[b], out_hbm.at[pl.ds(base + i * CH, CH)])

    return k(seq3, table)


def kernel(sequence, table):
    n_tok = sequence.size
    assert n_tok % (NW * CH * NBUF) == 0
    nch = n_tok // (NW * CH)
    seq3 = sequence.reshape(NW, nch, CH).astype(jnp.int32)
    out = _sc_gather(seq3, table.astype(jnp.float32), nch)
    return out.reshape(sequence.shape + (EMBED,))

# --- scband reference (transcript-rebuilt; emitter-appended) ---
"""Pipeline reference for scband-bertembedding-47691316854984 (READ-ONLY COPY).

The authoritative reference and input builder live on the scoring server;
editing this copy changes nothing except your own understanding.
"""

import jax, jax.numpy as jnp
import numpy as np

VOCAB = 1000000
EMBED = 64
BATCH = 4096
SEQ = 200

def setup_inputs(seed: int = 0) -> dict:
    key = jax.random.key(seed)
    k_idx, k_tab = jax.random.split(key)
    sequence = jax.random.randint(k_idx, (BATCH, SEQ), 0, VOCAB, dtype=jnp.int64 if jax.config.jax_enable_x64 else jnp.int32)
    table = jax.random.normal(k_tab, (VOCAB, EMBED), dtype=jnp.float32) * 0.02
    return {"sequence": sequence, "table": table}

def reference(sequence, table):
    # BERTEmbedding with use_rope=True: positional embedding is skipped.
    # Token embedding lookup (nn.Embedding -> gather rows of table).
    x = jnp.take(table, sequence, axis=0)
    # Dropout is identity in eval/deterministic reference.
    return x

if __name__ == "__main__":
    import jax
    _d = setup_inputs()
    print(jax.jit(kernel)(*tuple(_d.values())))

</pallas_src>

<mosaic_0001>
#map = affine_map<(d0, d1) -> (0, 0, 0)>
#map1 = affine_map<(d0, d1) -> (0, 0)>
module attributes {stable_mosaic.version = 14 : i64} {
  func.func @k(%arg0: i32, %arg1: i32, %arg2: memref<32x200x128xi32, #tpu.memory_space<hbm>>, %arg3: memref<1000000x64xf32, #tpu.memory_space<hbm>>, %arg4: memref<819200x64xf32, #tpu.memory_space<hbm>>, %arg5: memref<200x128xi32, #tpu.memory_space<vmem>>, %arg6: memref<4x128x64xf32, #tpu.memory_space<vmem>>, %arg7: memref<!tpu.dma_semaphore, #tpu.memory_space<semaphore_mem>>) attributes {dimension_semantics = [#tpu.dimension_semantics<core_parallel>, #tpu.dimension_semantics<subcore_parallel>], iteration_bounds = array<i64: 2, 16>, scalar_prefetch = 0 : i64, scratch_operands = 3 : i64, tpu.core_type = #tpu.core_type<sc_vector_subcore>, window_params = [{transform_indices = #map}, {transform_indices = #map1}, {transform_indices = #map1}]} {
    %mul3A = arith.constant 2 : i32
    %mul3A_0 = arith.muli %arg1, %mul3A : i32
    %add3A = arith.addi %mul3A_0, %arg0 : i32
    %mul3A_1 = arith.constant 25600 : i32
    %mul3A_2 = arith.muli %add3A, %mul3A_1 : i32
    "tpu.region"() ({
      %run_scoped3A_113 = tpu.sem_alloc : memref<!tpu.dma_semaphore, #tpu.memory_space<semaphore_mem>>
      %dma_start3A_114 = arith.constant 0 : i32
      %dma_start3A_115 = arith.constant 0 : i32
      %dma_start3A_116 = tpu.memref_slice %arg2[%add3A, %dma_start3A_114, %dma_start3A_115] : memref<32x200x128xi32, #tpu.memory_space<hbm>> -> memref<1x200x128xi32, #tpu.memory_space<hbm>>
      %dma_start3A_117 = tpu.memref_squeeze %dma_start3A_116 : memref<1x200x128xi32, #tpu.memory_space<hbm>> -> memref<200x128xi32, #tpu.memory_space<hbm>>
      %dma_start3A_118 = arith.constant 0 : i32
      %dma_start3A_119 = arith.constant 0 : i32
      %dma_start3A_120 = tpu.memref_slice %arg2[%add3A, %dma_start3A_118, %dma_start3A_119] : memref<32x200x128xi32, #tpu.memory_space<hbm>> -> memref<1x200x128xi32, #tpu.memory_space<hbm>>
      %dma_start3A_121 = tpu.memref_squeeze %dma_start3A_120 : memref<1x200x128xi32, #tpu.memory_space<hbm>> -> memref<200x128xi32, #tpu.memory_space<hbm>>
      tpu.enqueue_dma source(%dma_start3A_121 : memref<200x128xi32, #tpu.memory_space<hbm>>) target(%arg5 : memref<200x128xi32, #tpu.memory_space<vmem>>) target_semaphore(%run_scoped3A_113 : memref<!tpu.dma_semaphore, #tpu.memory_space<semaphore_mem>>)
      %dma_wait3A_122 = arith.constant 0 : i32
      %dma_wait3A_123 = arith.constant 0 : i32
      %dma_wait3A_124 = tpu.memref_slice %arg2[%add3A, %dma_wait3A_122, %dma_wait3A_123] : memref<32x200x128xi32, #tpu.memory_space<hbm>> -> memref<1x200x128xi32, #tpu.memory_space<hbm>>
      %dma_wait3A_125 = tpu.memref_squeeze %dma_wait3A_124 : memref<1x200x128xi32, #tpu.memory_space<hbm>> -> memref<200x128xi32, #tpu.memory_space<hbm>>
      %dma_wait3A_126 = arith.constant 0 : i32
      %dma_wait3A_127 = arith.constant 0 : i32
      %dma_wait3A_128 = tpu.memref_slice %arg2[%add3A, %dma_wait3A_126, %dma_wait3A_127] : memref<32x200x128xi32, #tpu.memory_space<hbm>> -> memref<1x200x128xi32, #tpu.memory_space<hbm>>
      %dma_wait3A_129 = tpu.memref_squeeze %dma_wait3A_128 : memref<1x200x128xi32, #tpu.memory_space<hbm>> -> memref<200x128xi32, #tpu.memory_space<hbm>>
      tpu.wait_dma2 semaphore(%run_scoped3A_113 : memref<!tpu.dma_semaphore, #tpu.memory_space<semaphore_mem>>) src(%dma_wait3A_129 : memref<200x128xi32, #tpu.memory_space<hbm>>) dst(%arg5 : memref<200x128xi32, #tpu.memory_space<vmem>>)
      tpu.yield
    }) : () -> ()
    %dma_start3A = arith.constant 0 : i32
    %dma_start3A_3 = arith.constant 0 : i32
    %dma_start3A_4 = arith.constant 0 : i32
    %dma_start3A_5 = arith.constant 0 : i32
    %dma_start3A_6 = tpu.memref_slice %arg6[%dma_start3A_3, %dma_start3A_4, %dma_start3A_5] : memref<4x128x64xf32, #tpu.memory_space<vmem>> -> memref<1x128x64xf32, #tpu.memory_space<vmem>>
    %dma_start3A_7 = tpu.memref_squeeze %dma_start3A_6 : memref<1x128x64xf32, #tpu.memory_space<vmem>> -> memref<128x64xf32, #tpu.memory_space<vmem>>
    %dma_start3A_8 = arith.constant 0 : i32
    %dma_start3A_9 = tpu.memref_slice %arg5[%dma_start3A, %dma_start3A_8] : memref<200x128xi32, #tpu.memory_space<vmem>> -> memref<1x128xi32, #tpu.memory_space<vmem>>
    %dma_start3A_10 = tpu.memref_squeeze %dma_start3A_9 : memref<1x128xi32, #tpu.memory_space<vmem>> -> memref<128xi32, #tpu.memory_space<vmem>>
    %dma_start3A_11 = arith.constant 0 : i32
    %dma_start3A_12 = arith.constant 0 : i32
    %dma_start3A_13 = tpu.memref_slice %arg3[%dma_start3A_11, %dma_start3A_12] : memref<1000000x64xf32, #tpu.memory_space<hbm>> -> memref<1000000x64xf32, #tpu.memory_space<hbm>>
    tpu.enqueue_indirect_dma source(%dma_start3A_13 : memref<1000000x64xf32, #tpu.memory_space<hbm>>) target(%dma_start3A_7 : memref<128x64xf32, #tpu.memory_space<vmem>>) offsets(%dma_start3A_10 : memref<128xi32, #tpu.memory_space<vmem>>) semaphore(%arg7 : memref<!tpu.dma_semaphore, #tpu.memory_space<semaphore_mem>>)
    %dma_start3A_14 = arith.constant 1 : i32
    %dma_start3A_15 = arith.constant 1 : i32
    %dma_start3A_16 = arith.constant 0 : i32
    %dma_start3A_17 = arith.constant 0 : i32
    %dma_start3A_18 = tpu.memref_slice %arg6[%dma_start3A_15, %dma_start3A_16, %dma_start3A_17] : memref<4x128x64xf32, #tpu.memory_space<vmem>> -> memref<1x128x64xf32, #tpu.memory_space<vmem>>
    %dma_start3A_19 = tpu.memref_squeeze %dma_start3A_18 : memref<1x128x64xf32, #tpu.memory_space<vmem>> -> memref<128x64xf32, #tpu.memory_space<vmem>>
    %dma_start3A_20 = arith.constant 0 : i32
    %dma_start3A_21 = tpu.memref_slice %arg5[%dma_start3A_14, %dma_start3A_20] : memref<200x128xi32, #tpu.memory_space<vmem>> -> memref<1x128xi32, #tpu.memory_space<vmem>>
    %dma_start3A_22 = tpu.memref_squeeze %dma_start3A_21 : memref<1x128xi32, #tpu.memory_space<vmem>> -> memref<128xi32, #tpu.memory_space<vmem>>
    %dma_start3A_23 = arith.constant 0 : i32
    %dma_start3A_24 = arith.constant 0 : i32
    %dma_start3A_25 = tpu.memref_slice %arg3[%dma_start3A_23, %dma_start3A_24] : memref<1000000x64xf32, #tpu.memory_space<hbm>> -> memref<1000000x64xf32, #tpu.memory_space<hbm>>
    tpu.enqueue_indirect_dma source(%dma_start3A_25 : memref<1000000x64xf32, #tpu.memory_space<hbm>>) target(%dma_start3A_19 : memref<128x64xf32, #tpu.memory_space<vmem>>) offsets(%dma_start3A_22 : memref<128xi32, #tpu.memory_space<vmem>>) semaphore(%arg7 : memref<!tpu.dma_semaphore, #tpu.memory_space<semaphore_mem>>)
    %dma_start3A_26 = arith.constant 2 : i32
    %dma_start3A_27 = arith.constant 2 : i32
    %dma_start3A_28 = arith.constant 0 : i32
    %dma_start3A_29 = arith.constant 0 : i32
    %dma_start3A_30 = tpu.memref_slice %arg6[%dma_start3A_27, %dma_start3A_28, %dma_start3A_29] : memref<4x128x64xf32, #tpu.memory_space<vmem>> -> memref<1x128x64xf32, #tpu.memory_space<vmem>>
    %dma_start3A_31 = tpu.memref_squeeze %dma_start3A_30 : memref<1x128x64xf32, #tpu.memory_space<vmem>> -> memref<128x64xf32, #tpu.memory_space<vmem>>
    %dma_start3A_32 = arith.constant 0 : i32
    %dma_start3A_33 = tpu.memref_slice %arg5[%dma_start3A_26, %dma_start3A_32] : memref<200x128xi32, #tpu.memory_space<vmem>> -> memref<1x128xi32, #tpu.memory_space<vmem>>
    %dma_start3A_34 = tpu.memref_squeeze %dma_start3A_33 : memref<1x128xi32, #tpu.memory_space<vmem>> -> memref<128xi32, #tpu.memory_space<vmem>>
    %dma_start3A_35 = arith.constant 0 : i32
    %dma_start3A_36 = arith.constant 0 : i32
    %dma_start3A_37 = tpu.memref_slice %arg3[%dma_start3A_35, %dma_start3A_36] : memref<1000000x64xf32, #tpu.memory_space<hbm>> -> memref<1000000x64xf32, #tpu.memory_space<hbm>>
    tpu.enqueue_indirect_dma source(%dma_start3A_37 : memref<1000000x64xf32, #tpu.memory_space<hbm>>) target(%dma_start3A_31 : memref<128x64xf32, #tpu.memory_space<vmem>>) offsets(%dma_start3A_34 : memref<128xi32, #tpu.memory_space<vmem>>) semaphore(%arg7 : memref<!tpu.dma_semaphore, #tpu.memory_space<semaphore_mem>>)
    %dma_start3A_38 = arith.constant 3 : i32
    %dma_start3A_39 = arith.constant 3 : i32
    %dma_start3A_40 = arith.constant 0 : i32
    %dma_start3A_41 = arith.constant 0 : i32
    %dma_start3A_42 = tpu.memref_slice %arg6[%dma_start3A_39, %dma_start3A_40, %dma_start3A_41] : memref<4x128x64xf32, #tpu.memory_space<vmem>> -> memref<1x128x64xf32, #tpu.memory_space<vmem>>
    %dma_start3A_43 = tpu.memref_squeeze %dma_start3A_42 : memref<1x128x64xf32, #tpu.memory_space<vmem>> -> memref<128x64xf32, #tpu.memory_space<vmem>>
    %dma_start3A_44 = arith.constant 0 : i32
    %dma_start3A_45 = tpu.memref_slice %arg5[%dma_start3A_38, %dma_start3A_44] : memref<200x128xi32, #tpu.memory_space<vmem>> -> memref<1x128xi32, #tpu.memory_space<vmem>>
    %dma_start3A_46 = tpu.memref_squeeze %dma_start3A_45 : memref<1x128xi32, #tpu.memory_space<vmem>> -> memref<128xi32, #tpu.memory_space<vmem>>
    %dma_start3A_47 = arith.constant 0 : i32
    %dma_start3A_48 = arith.constant 0 : i32
    %dma_start3A_49 = tpu.memref_slice %arg3[%dma_start3A_47, %dma_start3A_48] : memref<1000000x64xf32, #tpu.memory_space<hbm>> -> memref<1000000x64xf32, #tpu.memory_space<hbm>>
    tpu.enqueue_indirect_dma source(%dma_start3A_49 : memref<1000000x64xf32, #tpu.memory_space<hbm>>) target(%dma_start3A_43 : memref<128x64xf32, #tpu.memory_space<vmem>>) offsets(%dma_start3A_46 : memref<128xi32, #tpu.memory_space<vmem>>) semaphore(%arg7 : memref<!tpu.dma_semaphore, #tpu.memory_space<semaphore_mem>>)
    %scan3A = arith.constant 0 : i32
    %scan3A_50 = arith.constant 0 : i32
    %scan3A_51 = arith.constant 49 : i32
    %scan3A_52 = arith.addi %scan3A_50, %scan3A_51 : i32
    %scan3A_53 = arith.constant 1 : i32
    scf.for %scan3A_113 = %scan3A_50 to %scan3A_52 step %scan3A_53  : i32 {
      %mul3A_114 = arith.constant 4 : i32
      %mul3A_115 = arith.muli %scan3A_113, %mul3A_114 : i32
      %add3A_116 = arith.constant 0 : i32
      %add3A_117 = arith.addi %mul3A_115, %add3A_116 : i32
      %dma_wait3A_118 = arith.constant 0 : i32
      %dma_wait3A_119 = arith.constant 0 : i32
      %dma_wait3A_120 = arith.constant 0 : i32
      %dma_wait3A_121 = tpu.memref_slice %arg6[%dma_wait3A_118, %dma_wait3A_119, %dma_wait3A_120] : memref<4x128x64xf32, #tpu.memory_space<vmem>> -> memref<1x128x64xf32, #tpu.memory_space<vmem>>
      %dma_wait3A_122 = tpu.memref_squeeze %dma_wait3A_121 : memref<1x128x64xf32, #tpu.memory_space<vmem>> -> memref<128x64xf32, #tpu.memory_space<vmem>>
      %dma_wait3A_123 = arith.constant 0 : i32
      %dma_wait3A_124 = tpu.memref_slice %arg5[%add3A_117, %dma_wait3A_123] : memref<200x128xi32, #tpu.memory_space<vmem>> -> memref<1x128xi32, #tpu.memory_space<vmem>>
      %dma_wait3A_125 = tpu.memref_squeeze %dma_wait3A_124 : memref<1x128xi32, #tpu.memory_space<vmem>> -> memref<128xi32, #tpu.memory_space<vmem>>
      %dma_wait3A_126 = arith.constant 0 : i32
      %dma_wait3A_127 = arith.constant 0 : i32
      %dma_wait3A_128 = tpu.memref_slice %arg3[%dma_wait3A_126, %dma_wait3A_127] : memref<1000000x64xf32, #tpu.memory_space<hbm>> -> memref<1000000x64xf32, #tpu.memory_space<hbm>>
      tpu.wait_indirect_dma semaphore(%arg7 : memref<!tpu.dma_semaphore, #tpu.memory_space<semaphore_mem>>) src(%dma_wait3A_128 : memref<1000000x64xf32, #tpu.memory_space<hbm>>) dst(%dma_wait3A_122 : memref<128x64xf32, #tpu.memory_space<vmem>>)
      %mul3A_129 = arith.constant 128 : i32
      %mul3A_130 = arith.muli %add3A_117, %mul3A_129 : i32
      %add3A_131 = arith.addi %mul3A_2, %mul3A_130 : i32
      %run_scoped3A_132 = arith.constant 0 : i32
      "tpu.region"() ({
        %run_scoped3A_242 = tpu.sem_alloc : memref<!tpu.dma_semaphore, #tpu.memory_space<semaphore_mem>>
        %dma_start3A_243 = arith.constant 0 : i32
        %dma_start3A_244 = arith.constant 0 : i32
        %dma_start3A_245 = tpu.memref_slice %arg6[%run_scoped3A_132, %dma_start3A_243, %dma_start3A_244] : memref<4x128x64xf32, #tpu.memory_space<vmem>> -> memref<1x128x64xf32, #tpu.memory_space<vmem>>
        %dma_start3A_246 = tpu.memref_squeeze %dma_start3A_245 : memref<1x128x64xf32, #tpu.memory_space<vmem>> -> memref<128x64xf32, #tpu.memory_space<vmem>>
        %dma_start3A_247 = arith.constant 0 : i32
        %dma_start3A_248 = tpu.memref_slice %arg4[%add3A_131, %dma_start3A_247] : memref<819200x64xf32, #tpu.memory_space<hbm>> -> memref<128x64xf32, #tpu.memory_space<hbm>>
        %dma_start3A_249 = arith.constant 0 : i32
        %dma_start3A_250 = tpu.memref_slice %arg4[%add3A_131, %dma_start3A_249] : memref<819200x64xf32, #tpu.memory_space<hbm>> -> memref<128x64xf32, #tpu.memory_space<hbm>>
        %dma_start3A_251 = arith.constant 0 : i32
        %dma_start3A_252 = arith.constant 0 : i32
        %dma_start3A_253 = tpu.memref_slice %arg6[%run_scoped3A_132, %dma_start3A_251, %dma_start3A_252] : memref<4x128x64xf32, #tpu.memory_space<vmem>> -> memref<1x128x64xf32, #tpu.memory_space<vmem>>
        %dma_start3A_254 = tpu.memref_squeeze %dma_start3A_253 : memref<1x128x64xf32, #tpu.memory_space<vmem>> -> memref<128x64xf32, #tpu.memory_space<vmem>>
        tpu.enqueue_dma source(%dma_start3A_254 : memref<128x64xf32, #tpu.memory_space<vmem>>) target(%dma_start3A_250 : memref<128x64xf32, #tpu.memory_space<hbm>>) target_semaphore(%run_scoped3A_242 : memref<!tpu.dma_semaphore, #tpu.memory_space<semaphore_mem>>)
        %dma_wait3A_255 = arith.constant 0 : i32
        %dma_wait3A_256 = arith.constant 0 : i32
        %dma_wait3A_257 = tpu.memref_slice %arg6[%run_scoped3A_132, %dma_wait3A_255, %dma_wait3A_256] : memref<4x128x64xf32, #tpu.memory_space<vmem>> -> memref<1x128x64xf32, #tpu.memory_space<vmem>>
        %dma_wait3A_258 = tpu.memref_squeeze %dma_wait3A_257 : memref<1x128x64xf32, #tpu.memory_space<vmem>> -> memref<128x64xf32, #tpu.memory_space<vmem>>
        %dma_wait3A_259 = arith.constant 0 : i32
        %dma_wait3A_260 = tpu.memref_slice %arg4[%add3A_131, %dma_wait3A_259] : memref<819200x64xf32, #tpu.memory_space<hbm>> -> memref<128x64xf32, #tpu.memory_space<hbm>>
        %dma_wait3A_261 = arith.constant 0 : i32
        %dma_wait3A_262 = tpu.memref_slice %arg4[%add3A_131, %dma_wait3A_261] : memref<819200x64xf32, #tpu.memory_space<hbm>> -> memref<128x64xf32, #tpu.memory_space<hbm>>
        %dma_wait3A_263 = arith.constant 0 : i32
        %dma_wait3A_264 = arith.constant 0 : i32
        %dma_wait3A_265 = tpu.memref_slice %arg6[%run_scoped3A_132, %dma_wait3A_263, %dma_wait3A_264] : memref<4x128x64xf32, #tpu.memory_space<vmem>> -> memref<1x128x64xf32, #tpu.memory_space<vmem>>
        %dma_wait3A_266 = tpu.memref_squeeze %dma_wait3A_265 : memref<1x128x64xf32, #tpu.memory_space<vmem>> -> memref<128x64xf32, #tpu.memory_space<vmem>>
        tpu.wait_dma2 semaphore(%run_scoped3A_242 : memref<!tpu.dma_semaphore, #tpu.memory_space<semaphore_mem>>) src(%dma_wait3A_266 : memref<128x64xf32, #tpu.memory_space<vmem>>) dst(%dma_wait3A_262 : memref<128x64xf32, #tpu.memory_space<hbm>>)
        tpu.yield
      }) : () -> ()
      %add3A_133 = arith.constant 4 : i32
      %add3A_134 = arith.addi %add3A_117, %add3A_133 : i32
      %dma_start3A_135 = arith.constant 0 : i32
      %dma_start3A_136 = arith.constant 0 : i32
      %dma_start3A_137 = arith.constant 0 : i32
      %dma_start3A_138 = tpu.memref_slice %arg6[%dma_start3A_135, %dma_start3A_136, %dma_start3A_137] : memref<4x128x64xf32, #tpu.memory_space<vmem>> -> memref<1x128x64xf32, #tpu.memory_space<vmem>>
      %dma_start3A_139 = tpu.memref_squeeze %dma_start3A_138 : memref<1x128x64xf32, #tpu.memory_space<vmem>> -> memref<128x64xf32, #tpu.memory_space<vmem>>
      %dma_start3A_140 = arith.constant 0 : i32
      %dma_start3A_141 = tpu.memref_slice %arg5[%add3A_134, %dma_start3A_140] : memref<200x128xi32, #tpu.memory_space<vmem>> -> memref<1x128xi32, #tpu.memory_space<vmem>>
      %dma_start3A_142 = tpu.memref_squeeze %dma_start3A_141 : memref<1x128xi32, #tpu.memory_space<vmem>> -> memref<128xi32, #tpu.memory_space<vmem>>
      %dma_start3A_143 = arith.constant 0 : i32
      %dma_start3A_144 = arith.constant 0 : i32
      %dma_start3A_145 = tpu.memref_slice %arg3[%dma_start3A_143, %dma_start3A_144] : memref<1000000x64xf32, #tpu.memory_space<hbm>> -> memref<1000000x64xf32, #tpu.memory_space<hbm>>
      tpu.enqueue_indirect_dma source(%dma_start3A_145 : memref<1000000x64xf32, #tpu.memory_space<hbm>>) target(%dma_start3A_139 : memref<128x64xf32, #tpu.memory_space<vmem>>) offsets(%dma_start3A_142 : memref<128xi32, #tpu.memory_space<vmem>>) semaphore(%arg7 : memref<!tpu.dma_semaphore, #tpu.memory_space<semaphore_mem>>)
      %mul3A_146 = arith.constant 4 : i32
      %mul3A_147 = arith.muli %scan3A_113, %mul3A_146 : i32
      %add3A_148 = arith.constant 1 : i32
      %add3A_149 = arith.addi %mul3A_147, %add3A_148 : i32
      %dma_wait3A_150 = arith.constant 1 : i32
      %dma_wait3A_151 = arith.constant 0 : i32
      %dma_wait3A_152 = arith.constant 0 : i32
      %dma_wait3A_153 = tpu.memref_slice %arg6[%dma_wait3A_150, %dma_wait3A_151, %dma_wait3A_152] : memref<4x128x64xf32, #tpu.memory_space<vmem>> -> memref<1x128x64xf32, #tpu.memory_space<vmem>>
      %dma_wait3A_154 = tpu.memref_squeeze %dma_wait3A_153 : memref<1x128x64xf32, #tpu.memory_space<vmem>> -> memref<128x64xf32, #tpu.memory_space<vmem>>
      %dma_wait3A_155 = arith.constant 0 : i32
      %dma_wait3A_156 = tpu.memref_slice %arg5[%add3A_149, %dma_wait3A_155] : memref<200x128xi32, #tpu.memory_space<vmem>> -> memref<1x128xi32, #tpu.memory_space<vmem>>
      %dma_wait3A_157 = tpu.memref_squeeze %dma_wait3A_156 : memref<1x128xi32, #tpu.memory_space<vmem>> -> memref<128xi32, #tpu.memory_space<vmem>>
      %dma_wait3A_158 = arith.constant 0 : i32
      %dma_wait3A_159 = arith.constant 0 : i32
      %dma_wait3A_160 = tpu.memref_slice %arg3[%dma_wait3A_158, %dma_wait3A_159] : memref<1000000x64xf32, #tpu.memory_space<hbm>> -> memref<1000000x64xf32, #tpu.memory_space<hbm>>
      tpu.wait_indirect_dma semaphore(%arg7 : memref<!tpu.dma_semaphore, #tpu.memory_space<semaphore_mem>>) src(%dma_wait3A_160 : memref<1000000x64xf32, #tpu.memory_space<hbm>>) dst(%dma_wait3A_154 : memref<128x64xf32, #tpu.memory_space<vmem>>)
      %mul3A_161 = arith.constant 128 : i32
      %mul3A_162 = arith.muli %add3A_149, %mul3A_161 : i32
      %add3A_163 = arith.addi %mul3A_2, %mul3A_162 : i32
      %run_scoped3A_164 = arith.constant 1 : i32
      "tpu.region"() ({
        %run_scoped3A_242 = tpu.sem_alloc : memref<!tpu.dma_semaphore, #tpu.memory_space<semaphore_mem>>
        %dma_start3A_243 = arith.constant 0 : i32
        %dma_start3A_244 = arith.constant 0 : i32
        %dma_start3A_245 = tpu.memref_slice %arg6[%run_scoped3A_164, %dma_start3A_243, %dma_start3A_244] : memref<4x128x64xf32, #tpu.memory_space<vmem>> -> memref<1x128x64xf32, #tpu.memory_space<vmem>>
        %dma_start3A_246 = tpu.memref_squeeze %dma_start3A_245 : memref<1x128x64xf32, #tpu.memory_space<vmem>> -> memref<128x64xf32, #tpu.memory_space<vmem>>
        %dma_start3A_247 = arith.constant 0 : i32
        %dma_start3A_248 = tpu.memref_slice %arg4[%add3A_163, %dma_start3A_247] : memref<819200x64xf32, #tpu.memory_space<hbm>> -> memref<128x64xf32, #tpu.memory_space<hbm>>
        %dma_start3A_249 = arith.constant 0 : i32
        %dma_start3A_250 = tpu.memref_slice %arg4[%add3A_163, %dma_start3A_249] : memref<819200x64xf32, #tpu.memory_space<hbm>> -> memref<128x64xf32, #tpu.memory_space<hbm>>
        %dma_start3A_251 = arith.constant 0 : i32
        %dma_start3A_252 = arith.constant 0 : i32
        %dma_start3A_253 = tpu.memref_slice %arg6[%run_scoped3A_164, %dma_start3A_251, %dma_start3A_252] : memref<4x128x64xf32, #tpu.memory_space<vmem>> -> memref<1x128x64xf32, #tpu.memory_space<vmem>>
        %dma_start3A_254 = tpu.memref_squeeze %dma_start3A_253 : memref<1x128x64xf32, #tpu.memory_space<vmem>> -> memref<128x64xf32, #tpu.memory_space<vmem>>
        tpu.enqueue_dma source(%dma_start3A_254 : memref<128x64xf32, #tpu.memory_space<vmem>>) target(%dma_start3A_250 : memref<128x64xf32, #tpu.memory_space<hbm>>) target_semaphore(%run_scoped3A_242 : memref<!tpu.dma_semaphore, #tpu.memory_space<semaphore_mem>>)
        %dma_wait3A_255 = arith.constant 0 : i32
        %dma_wait3A_256 = arith.constant 0 : i32
        %dma_wait3A_257 = tpu.memref_slice %arg6[%run_scoped3A_164, %dma_wait3A_255, %dma_wait3A_256] : memref<4x128x64xf32, #tpu.memory_space<vmem>> -> memref<1x128x64xf32, #tpu.memory_space<vmem>>
        %dma_wait3A_258 = tpu.memref_squeeze %dma_wait3A_257 : memref<1x128x64xf32, #tpu.memory_space<vmem>> -> memref<128x64xf32, #tpu.memory_space<vmem>>
        %dma_wait3A_259 = arith.constant 0 : i32
        %dma_wait3A_260 = tpu.memref_slice %arg4[%add3A_163, %dma_wait3A_259] : memref<819200x64xf32, #tpu.memory_space<hbm>> -> memref<128x64xf32, #tpu.memory_space<hbm>>
        %dma_wait3A_261 = arith.constant 0 : i32
        %dma_wait3A_262 = tpu.memref_slice %arg4[%add3A_163, %dma_wait3A_261] : memref<819200x64xf32, #tpu.memory_space<hbm>> -> memref<128x64xf32, #tpu.memory_space<hbm>>
        %dma_wait3A_263 = arith.constant 0 : i32
        %dma_wait3A_264 = arith.constant 0 : i32
        %dma_wait3A_265 = tpu.memref_slice %arg6[%run_scoped3A_164, %dma_wait3A_263, %dma_wait3A_264] : memref<4x128x64xf32, #tpu.memory_space<vmem>> -> memref<1x128x64xf32, #tpu.memory_space<vmem>>
        %dma_wait3A_266 = tpu.memref_squeeze %dma_wait3A_265 : memref<1x128x64xf32, #tpu.memory_space<vmem>> -> memref<128x64xf32, #tpu.memory_space<vmem>>
        tpu.wait_dma2 semaphore(%run_scoped3A_242 : memref<!tpu.dma_semaphore, #tpu.memory_space<semaphore_mem>>) src(%dma_wait3A_266 : memref<128x64xf32, #tpu.memory_space<vmem>>) dst(%dma_wait3A_262 : memref<128x64xf32, #tpu.memory_space<hbm>>)
        tpu.yield
      }) : () -> ()
      %add3A_165 = arith.constant 4 : i32
      %add3A_166 = arith.addi %add3A_149, %add3A_165 : i32
      %dma_start3A_167 = arith.constant 1 : i32
      %dma_start3A_168 = arith.constant 0 : i32
      %dma_start3A_169 = arith.constant 0 : i32
      %dma_start3A_170 = tpu.memref_slice %arg6[%dma_start3A_167, %dma_start3A_168, %dma_start3A_169] : memref<4x128x64xf32, #tpu.memory_space<vmem>> -> memref<1x128x64xf32, #tpu.memory_space<vmem>>
      %dma_start3A_171 = tpu.memref_squeeze %dma_start3A_170 : memref<1x128x64xf32, #tpu.memory_space<vmem>> -> memref<128x64xf32, #tpu.memory_space<vmem>>
      %dma_start3A_172 = arith.constant 0 : i32
      %dma_start3A_173 = tpu.memref_slice %arg5[%add3A_166, %dma_start3A_172] : memref<200x128xi32, #tpu.memory_space<vmem>> -> memref<1x128xi32, #tpu.memory_space<vmem>>
      %dma_start3A_174 = tpu.memref_squeeze %dma_start3A_173 : memref<1x128xi32, #tpu.memory_space<vmem>> -> memref<128xi32, #tpu.memory_space<vmem>>
      %dma_start3A_175 = arith.constant 0 : i32
      %dma_start3A_176 = arith.constant 0 : i32
      %dma_start3A_177 = tpu.memref_slice %arg3[%dma_start3A_175, %dma_start3A_176] : memref<1000000x64xf32, #tpu.memory_space<hbm>> -> memref<1000000x64xf32, #tpu.memory_space<hbm>>
      tpu.enqueue_indirect_dma source(%dma_start3A_177 : memref<1000000x64xf32, #tpu.memory_space<hbm>>) target(%dma_start3A_171 : memref<128x64xf32, #tpu.memory_space<vmem>>) offsets(%dma_start3A_174 : memref<128xi32, #tpu.memory_space<vmem>>) semaphore(%arg7 : memref<!tpu.dma_semaphore, #tpu.memory_space<semaphore_mem>>)
      %mul3A_178 = arith.constant 4 : i32
      %mul3A_179 = arith.muli %scan3A_113, %mul3A_178 : i32
      %add3A_180 = arith.constant 2 : i32
      %add3A_181 = arith.addi %mul3A_179, %add3A_180 : i32
      %dma_wait3A_182 = arith.constant 2 : i32
      %dma_wait3A_183 = arith.constant 0 : i32
      %dma_wait3A_184 = arith.constant 0 : i32
      %dma_wait3A_185 = tpu.memref_slice %arg6[%dma_wait3A_182, %dma_wait3A_183, %dma_wait3A_184] : memref<4x128x64xf32, #tpu.memory_space<vmem>> -> memref<1x128x64xf32, #tpu.memory_space<vmem>>
      %dma_wait3A_186 = tpu.memref_squeeze %dma_wait3A_185 : memref<1x128x64xf32, #tpu.memory_space<vmem>> -> memref<128x64xf32, #tpu.memory_space<vmem>>
      %dma_wait3A_187 = arith.constant 0 : i32
      %dma_wait3A_188 = tpu.memref_slice %arg5[%add3A_181, %dma_wait3A_187] : memref<200x128xi32, #tpu.memory_space<vmem>> -> memref<1x128xi32, #tpu.memory_space<vmem>>
      %dma_wait3A_189 = tpu.memref_squeeze %dma_wait3A_188 : memref<1x128xi32, #tpu.memory_space<vmem>> -> memref<128xi32, #tpu.memory_space<vmem>>
      %dma_wait3A_190 = arith.constant 0 : i32
      %dma_wait3A_191 = arith.constant 0 : i32
      %dma_wait3A_192 = tpu.memref_slice %arg3[%dma_wait3A_190, %dma_wait3A_191] : memref<1000000x64xf32, #tpu.memory_space<hbm>> -> memref<1000000x64xf32, #tpu.memory_space<hbm>>
      tpu.wait_indirect_dma semaphore(%arg7 : memref<!tpu.dma_semaphore, #tpu.memory_space<semaphore_mem>>) src(%dma_wait3A_192 : memref<1000000x64xf32, #tpu.memory_space<hbm>>) dst(%dma_wait3A_186 : memref<128x64xf32, #tpu.memory_space<vmem>>)
      %mul3A_193 = arith.constant 128 : i32
      %mul3A_194 = arith.muli %add3A_181, %mul3A_193 : i32
      %add3A_195 = arith.addi %mul3A_2, %mul3A_194 : i32
      %run_scoped3A_196 = arith.constant 2 : i32
      "tpu.region"() ({
        %run_scoped3A_242 = tpu.sem_alloc : memref<!tpu.dma_semaphore, #tpu.memory_space<semaphore_mem>>
        %dma_start3A_243 = arith.constant 0 : i32
        %dma_start3A_244 = arith.constant 0 : i32
        %dma_start3A_245 = tpu.memref_slice %arg6[%run_scoped3A_196, %dma_start3A_243, %dma_start3A_244] : memref<4x128x64xf32, #tpu.memory_space<vmem>> -> memref<1x128x64xf32, #tpu.memory_space<vmem>>
        %dma_start3A_246 = tpu.memref_squeeze %dma_start3A_245 : memref<1x128x64xf32, #tpu.memory_space<vmem>> -> memref<128x64xf32, #tpu.memory_space<vmem>>
        %dma_start3A_247 = arith.constant 0 : i32
        %dma_start3A_248 = tpu.memref_slice %arg4[%add3A_195, %dma_start3A_247] : memref<819200x64xf32, #tpu.memory_space<hbm>> -> memref<128x64xf32, #tpu.memory_space<hbm>>
        %dma_start3A_249 = arith.constant 0 : i32
        %dma_start3A_250 = tpu.memref_slice %arg4[%add3A_195, %dma_start3A_249] : memref<819200x64xf32, #tpu.memory_space<hbm>> -> memref<128x64xf32, #tpu.memory_space<hbm>>
        %dma_start3A_251 = arith.constant 0 : i32
        %dma_start3A_252 = arith.constant 0 : i32
        %dma_start3A_253 = tpu.memref_slice %arg6[%run_scoped3A_196, %dma_start3A_251, %dma_start3A_252] : memref<4x128x64xf32, #tpu.memory_space<vmem>> -> memref<1x128x64xf32, #tpu.memory_space<vmem>>
        %dma_start3A_254 = tpu.memref_squeeze %dma_start3A_253 : memref<1x128x64xf32, #tpu.memory_space<vmem>> -> memref<128x64xf32, #tpu.memory_space<vmem>>
        tpu.enqueue_dma source(%dma_start3A_254 : memref<128x64xf32, #tpu.memory_space<vmem>>) target(%dma_start3A_250 : memref<128x64xf32, #tpu.memory_space<hbm>>) target_semaphore(%run_scoped3A_242 : memref<!tpu.dma_semaphore, #tpu.memory_space<semaphore_mem>>)
        %dma_wait3A_255 = arith.constant 0 : i32
        %dma_wait3A_256 = arith.constant 0 : i32
        %dma_wait3A_257 = tpu.memref_slice %arg6[%run_scoped3A_196, %dma_wait3A_255, %dma_wait3A_256] : memref<4x128x64xf32, #tpu.memory_space<vmem>> -> memref<1x128x64xf32, #tpu.memory_space<vmem>>
        %dma_wait3A_258 = tpu.memref_squeeze %dma_wait3A_257 : memref<1x128x64xf32, #tpu.memory_space<vmem>> -> memref<128x64xf32, #tpu.memory_space<vmem>>
        %dma_wait3A_259 = arith.constant 0 : i32
        %dma_wait3A_260 = tpu.memref_slice %arg4[%add3A_195, %dma_wait3A_259] : memref<819200x64xf32, #tpu.memory_space<hbm>> -> memref<128x64xf32, #tpu.memory_space<hbm>>
        %dma_wait3A_261 = arith.constant 0 : i32
        %dma_wait3A_262 = tpu.memref_slice %arg4[%add3A_195, %dma_wait3A_261] : memref<819200x64xf32, #tpu.memory_space<hbm>> -> memref<128x64xf32, #tpu.memory_space<hbm>>
        %dma_wait3A_263 = arith.constant 0 : i32
        %dma_wait3A_264 = arith.constant 0 : i32
        %dma_wait3A_265 = tpu.memref_slice %arg6[%run_scoped3A_196, %dma_wait3A_263, %dma_wait3A_264] : memref<4x128x64xf32, #tpu.memory_space<vmem>> -> memref<1x128x64xf32, #tpu.memory_space<vmem>>
        %dma_wait3A_266 = tpu.memref_squeeze %dma_wait3A_265 : memref<1x128x64xf32, #tpu.memory_space<vmem>> -> memref<128x64xf32, #tpu.memory_space<vmem>>
        tpu.wait_dma2 semaphore(%run_scoped3A_242 : memref<!tpu.dma_semaphore, #tpu.memory_space<semaphore_mem>>) src(%dma_wait3A_266 : memref<128x64xf32, #tpu.memory_space<vmem>>) dst(%dma_wait3A_262 : memref<128x64xf32, #tpu.memory_space<hbm>>)
        tpu.yield
      }) : () -> ()
      %add3A_197 = arith.constant 4 : i32
      %add3A_198 = arith.addi %add3A_181, %add3A_197 : i32
      %dma_start3A_199 = arith.constant 2 : i32
      %dma_start3A_200 = arith.constant 0 : i32
      %dma_start3A_201 = arith.constant 0 : i32
      %dma_start3A_202 = tpu.memref_slice %arg6[%dma_start3A_199, %dma_start3A_200, %dma_start3A_201] : memref<4x128x64xf32, #tpu.memory_space<vmem>> -> memref<1x128x64xf32, #tpu.memory_space<vmem>>
      %dma_start3A_203 = tpu.memref_squeeze %dma_start3A_202 : memref<1x128x64xf32, #tpu.memory_space<vmem>> -> memref<128x64xf32, #tpu.memory_space<vmem>>
      %dma_start3A_204 = arith.constant 0 : i32
      %dma_start3A_205 = tpu.memref_slice %arg5[%add3A_198, %dma_start3A_204] : memref<200x128xi32, #tpu.memory_space<vmem>> -> memref<1x128xi32, #tpu.memory_space<vmem>>
      %dma_start3A_206 = tpu.memref_squeeze %dma_start3A_205 : memref<1x128xi32, #tpu.memory_space<vmem>> -> memref<128xi32, #tpu.memory_space<vmem>>
      %dma_start3A_207 = arith.constant 0 : i32
      %dma_start3A_208 = arith.constant 0 : i32
      %dma_start3A_209 = tpu.memref_slice %arg3[%dma_start3A_207, %dma_start3A_208] : memref<1000000x64xf32, #tpu.memory_space<hbm>> -> memref<1000000x64xf32, #tpu.memory_space<hbm>>
      tpu.enqueue_indirect_dma source(%dma_start3A_209 : memref<1000000x64xf32, #tpu.memory_space<hbm>>) target(%dma_start3A_203 : memref<128x64xf32, #tpu.memory_space<vmem>>) offsets(%dma_start3A_206 : memref<128xi32, #tpu.memory_space<vmem>>) semaphore(%arg7 : memref<!tpu.dma_semaphore, #tpu.memory_space<semaphore_mem>>)
      %mul3A_210 = arith.constant 4 : i32
      %mul3A_211 = arith.muli %scan3A_113, %mul3A_210 : i32
      %add3A_212 = arith.constant 3 : i32
      %add3A_213 = arith.addi %mul3A_211, %add3A_212 : i32
      %dma_wait3A_214 = arith.constant 3 : i32
      %dma_wait3A_215 = arith.constant 0 : i32
      %dma_wait3A_216 = arith.constant 0 : i32
      %dma_wait3A_217 = tpu.memref_slice %arg6[%dma_wait3A_214, %dma_wait3A_215, %dma_wait3A_216] : memref<4x128x64xf32, #tpu.memory_space<vmem>> -> memref<1x128x64xf32, #tpu.memory_space<vmem>>
      %dma_wait3A_218 = tpu.memref_squeeze %dma_wait3A_217 : memref<1x128x64xf32, #tpu.memory_space<vmem>> -> memref<128x64xf32, #tpu.memory_space<vmem>>
      %dma_wait3A_219 = arith.constant 0 : i32
      %dma_wait3A_220 = tpu.memref_slice %arg5[%add3A_213, %dma_wait3A_219] : memref<200x128xi32, #tpu.memory_space<vmem>> -> memref<1x128xi32, #tpu.memory_space<vmem>>
      %dma_wait3A_221 = tpu.memref_squeeze %dma_wait3A_220 : memref<1x128xi32, #tpu.memory_space<vmem>> -> memref<128xi32, #tpu.memory_space<vmem>>
      %dma_wait3A_222 = arith.constant 0 : i32
      %dma_wait3A_223 = arith.constant 0 : i32
      %dma_wait3A_224 = tpu.memref_slice %arg3[%dma_wait3A_222, %dma_wait3A_223] : memref<1000000x64xf32, #tpu.memory_space<hbm>> -> memref<1000000x64xf32, #tpu.memory_space<hbm>>
      tpu.wait_indirect_dma semaphore(%arg7 : memref<!tpu.dma_semaphore, #tpu.memory_space<semaphore_mem>>) src(%dma_wait3A_224 : memref<1000000x64xf32, #tpu.memory_space<hbm>>) dst(%dma_wait3A_218 : memref<128x64xf32, #tpu.memory_space<vmem>>)
      %mul3A_225 = arith.constant 128 : i32
      %mul3A_226 = arith.muli %add3A_213, %mul3A_225 : i32
      %add3A_227 = arith.addi %mul3A_2, %mul3A_226 : i32
      %run_scoped3A_228 = arith.constant 3 : i32
      "tpu.region"() ({
        %run_scoped3A_242 = tpu.sem_alloc : memref<!tpu.dma_semaphore, #tpu.memory_space<semaphore_mem>>
        %dma_start3A_243 = arith.constant 0 : i32
        %dma_start3A_244 = arith.constant 0 : i32
        %dma_start3A_245 = tpu.memref_slice %arg6[%run_scoped3A_228, %dma_start3A_243, %dma_start3A_244] : memref<4x128x64xf32, #tpu.memory_space<vmem>> -> memref<1x128x64xf32, #tpu.memory_space<vmem>>
        %dma_start3A_246 = tpu.memref_squeeze %dma_start3A_245 : memref<1x128x64xf32, #tpu.memory_space<vmem>> -> memref<128x64xf32, #tpu.memory_space<vmem>>
        %dma_start3A_247 = arith.constant 0 : i32
        %dma_start3A_248 = tpu.memref_slice %arg4[%add3A_227, %dma_start3A_247] : memref<819200x64xf32, #tpu.memory_space<hbm>> -> memref<128x64xf32, #tpu.memory_space<hbm>>
        %dma_start3A_249 = arith.constant 0 : i32
        %dma_start3A_250 = tpu.memref_slice %arg4[%add3A_227, %dma_start3A_249] : memref<819200x64xf32, #tpu.memory_space<hbm>> -> memref<128x64xf32, #tpu.memory_space<hbm>>
        %dma_start3A_251 = arith.constant 0 : i32
        %dma_start3A_252 = arith.constant 0 : i32
        %dma_start3A_253 = tpu.memref_slice %arg6[%run_scoped3A_228, %dma_start3A_251, %dma_start3A_252] : memref<4x128x64xf32, #tpu.memory_space<vmem>> -> memref<1x128x64xf32, #tpu.memory_space<vmem>>
        %dma_start3A_254 = tpu.memref_squeeze %dma_start3A_253 : memref<1x128x64xf32, #tpu.memory_space<vmem>> -> memref<128x64xf32, #tpu.memory_space<vmem>>
        tpu.enqueue_dma source(%dma_start3A_254 : memref<128x64xf32, #tpu.memory_space<vmem>>) target(%dma_start3A_250 : memref<128x64xf32, #tpu.memory_space<hbm>>) target_semaphore(%run_scoped3A_242 : memref<!tpu.dma_semaphore, #tpu.memory_space<semaphore_mem>>)
        %dma_wait3A_255 = arith.constant 0 : i32
        %dma_wait3A_256 = arith.constant 0 : i32
        %dma_wait3A_257 = tpu.memref_slice %arg6[%run_scoped3A_228, %dma_wait3A_255, %dma_wait3A_256] : memref<4x128x64xf32, #tpu.memory_space<vmem>> -> memref<1x128x64xf32, #tpu.memory_space<vmem>>
        %dma_wait3A_258 = tpu.memref_squeeze %dma_wait3A_257 : memref<1x128x64xf32, #tpu.memory_space<vmem>> -> memref<128x64xf32, #tpu.memory_space<vmem>>
        %dma_wait3A_259 = arith.constant 0 : i32
        %dma_wait3A_260 = tpu.memref_slice %arg4[%add3A_227, %dma_wait3A_259] : memref<819200x64xf32, #tpu.memory_space<hbm>> -> memref<128x64xf32, #tpu.memory_space<hbm>>
        %dma_wait3A_261 = arith.constant 0 : i32
        %dma_wait3A_262 = tpu.memref_slice %arg4[%add3A_227, %dma_wait3A_261] : memref<819200x64xf32, #tpu.memory_space<hbm>> -> memref<128x64xf32, #tpu.memory_space<hbm>>
        %dma_wait3A_263 = arith.constant 0 : i32
        %dma_wait3A_264 = arith.constant 0 : i32
        %dma_wait3A_265 = tpu.memref_slice %arg6[%run_scoped3A_228, %dma_wait3A_263, %dma_wait3A_264] : memref<4x128x64xf32, #tpu.memory_space<vmem>> -> memref<1x128x64xf32, #tpu.memory_space<vmem>>
        %dma_wait3A_266 = tpu.memref_squeeze %dma_wait3A_265 : memref<1x128x64xf32, #tpu.memory_space<vmem>> -> memref<128x64xf32, #tpu.memory_space<vmem>>
        tpu.wait_dma2 semaphore(%run_scoped3A_242 : memref<!tpu.dma_semaphore, #tpu.memory_space<semaphore_mem>>) src(%dma_wait3A_266 : memref<128x64xf32, #tpu.memory_space<vmem>>) dst(%dma_wait3A_262 : memref<128x64xf32, #tpu.memory_space<hbm>>)
        tpu.yield
      }) : () -> ()
      %add3A_229 = arith.constant 4 : i32
      %add3A_230 = arith.addi %add3A_213, %add3A_229 : i32
      %dma_start3A_231 = arith.constant 3 : i32
      %dma_start3A_232 = arith.constant 0 : i32
      %dma_start3A_233 = arith.constant 0 : i32
      %dma_start3A_234 = tpu.memref_slice %arg6[%dma_start3A_231, %dma_start3A_232, %dma_start3A_233] : memref<4x128x64xf32, #tpu.memory_space<vmem>> -> memref<1x128x64xf32, #tpu.memory_space<vmem>>
      %dma_start3A_235 = tpu.memref_squeeze %dma_start3A_234 : memref<1x128x64xf32, #tpu.memory_space<vmem>> -> memref<128x64xf32, #tpu.memory_space<vmem>>
      %dma_start3A_236 = arith.constant 0 : i32
      %dma_start3A_237 = tpu.memref_slice %arg5[%add3A_230, %dma_start3A_236] : memref<200x128xi32, #tpu.memory_space<vmem>> -> memref<1x128xi32, #tpu.memory_space<vmem>>
      %dma_start3A_238 = tpu.memref_squeeze %dma_start3A_237 : memref<1x128xi32, #tpu.memory_space<vmem>> -> memref<128xi32, #tpu.memory_space<vmem>>
      %dma_start3A_239 = arith.constant 0 : i32
      %dma_start3A_240 = arith.constant 0 : i32
      %dma_start3A_241 = tpu.memref_slice %arg3[%dma_start3A_239, %dma_start3A_240] : memref<1000000x64xf32, #tpu.memory_space<hbm>> -> memref<1000000x64xf32, #tpu.memory_space<hbm>>
      tpu.enqueue_indirect_dma source(%dma_start3A_241 : memref<1000000x64xf32, #tpu.memory_space<hbm>>) target(%dma_start3A_235 : memref<128x64xf32, #tpu.memory_space<vmem>>) offsets(%dma_start3A_238 : memref<128xi32, #tpu.memory_space<vmem>>) semaphore(%arg7 : memref<!tpu.dma_semaphore, #tpu.memory_space<semaphore_mem>>)
    }
    %scan3A_54 = arith.constant 49 : i32
    %dma_wait3A = arith.constant 196 : i32
    %dma_wait3A_55 = arith.constant 0 : i32
    %dma_wait3A_56 = arith.constant 0 : i32
    %dma_wait3A_57 = arith.constant 0 : i32
    %dma_wait3A_58 = tpu.memref_slice %arg6[%dma_wait3A_55, %dma_wait3A_56, %dma_wait3A_57] : memref<4x128x64xf32, #tpu.memory_space<vmem>> -> memref<1x128x64xf32, #tpu.memory_space<vmem>>
    %dma_wait3A_59 = tpu.memref_squeeze %dma_wait3A_58 : memref<1x128x64xf32, #tpu.memory_space<vmem>> -> memref<128x64xf32, #tpu.memory_space<vmem>>
    %dma_wait3A_60 = arith.constant 0 : i32
    %dma_wait3A_61 = tpu.memref_slice %arg5[%dma_wait3A, %dma_wait3A_60] : memref<200x128xi32, #tpu.memory_space<vmem>> -> memref<1x128xi32, #tpu.memory_space<vmem>>
    %dma_wait3A_62 = tpu.memref_squeeze %dma_wait3A_61 : memref<1x128xi32, #tpu.memory_space<vmem>> -> memref<128xi32, #tpu.memory_space<vmem>>
    %dma_wait3A_63 = arith.constant 0 : i32
    %dma_wait3A_64 = arith.constant 0 : i32
    %dma_wait3A_65 = tpu.memref_slice %arg3[%dma_wait3A_63, %dma_wait3A_64] : memref<1000000x64xf32, #tpu.memory_space<hbm>> -> memref<1000000x64xf32, #tpu.memory_space<hbm>>
    tpu.wait_indirect_dma semaphore(%arg7 : memref<!tpu.dma_semaphore, #tpu.memory_space<semaphore_mem>>) src(%dma_wait3A_65 : memref<1000000x64xf32, #tpu.memory_space<hbm>>) dst(%dma_wait3A_59 : memref<128x64xf32, #tpu.memory_space<vmem>>)
    %add3A_66 = arith.constant 25088 : i32
    %add3A_67 = arith.addi %mul3A_2, %add3A_66 : i32
    %run_scoped3A = arith.constant 0 : i32
    "tpu.region"() ({
      %run_scoped3A_113 = tpu.sem_alloc : memref<!tpu.dma_semaphore, #tpu.memory_space<semaphore_mem>>
      %dma_start3A_114 = arith.constant 0 : i32
      %dma_start3A_115 = arith.constant 0 : i32
      %dma_start3A_116 = tpu.memref_slice %arg6[%run_scoped3A, %dma_start3A_114, %dma_start3A_115] : memref<4x128x64xf32, #tpu.memory_space<vmem>> -> memref<1x128x64xf32, #tpu.memory_space<vmem>>
      %dma_start3A_117 = tpu.memref_squeeze %dma_start3A_116 : memref<1x128x64xf32, #tpu.memory_space<vmem>> -> memref<128x64xf32, #tpu.memory_space<vmem>>
      %dma_start3A_118 = arith.constant 0 : i32
      %dma_start3A_119 = tpu.memref_slice %arg4[%add3A_67, %dma_start3A_118] : memref<819200x64xf32, #tpu.memory_space<hbm>> -> memref<128x64xf32, #tpu.memory_space<hbm>>
      %dma_start3A_120 = arith.constant 0 : i32
      %dma_start3A_121 = tpu.memref_slice %arg4[%add3A_67, %dma_start3A_120] : memref<819200x64xf32, #tpu.memory_space<hbm>> -> memref<128x64xf32, #tpu.memory_space<hbm>>
      %dma_start3A_122 = arith.constant 0 : i32
      %dma_start3A_123 = arith.constant 0 : i32
      %dma_start3A_124 = tpu.memref_slice %arg6[%run_scoped3A, %dma_start3A_122, %dma_start3A_123] : memref<4x128x64xf32, #tpu.memory_space<vmem>> -> memref<1x128x64xf32, #tpu.memory_space<vmem>>
      %dma_start3A_125 = tpu.memref_squeeze %dma_start3A_124 : memref<1x128x64xf32, #tpu.memory_space<vmem>> -> memref<128x64xf32, #tpu.memory_space<vmem>>
      tpu.enqueue_dma source(%dma_start3A_125 : memref<128x64xf32, #tpu.memory_space<vmem>>) target(%dma_start3A_121 : memref<128x64xf32, #tpu.memory_space<hbm>>) target_semaphore(%run_scoped3A_113 : memref<!tpu.dma_semaphore, #tpu.memory_space<semaphore_mem>>)
      %dma_wait3A_126 = arith.constant 0 : i32
      %dma_wait3A_127 = arith.constant 0 : i32
      %dma_wait3A_128 = tpu.memref_slice %arg6[%run_scoped3A, %dma_wait3A_126, %dma_wait3A_127] : memref<4x128x64xf32, #tpu.memory_space<vmem>> -> memref<1x128x64xf32, #tpu.memory_space<vmem>>
      %dma_wait3A_129 = tpu.memref_squeeze %dma_wait3A_128 : memref<1x128x64xf32, #tpu.memory_space<vmem>> -> memref<128x64xf32, #tpu.memory_space<vmem>>
      %dma_wait3A_130 = arith.constant 0 : i32
      %dma_wait3A_131 = tpu.memref_slice %arg4[%add3A_67, %dma_wait3A_130] : memref<819200x64xf32, #tpu.memory_space<hbm>> -> memref<128x64xf32, #tpu.memory_space<hbm>>
      %dma_wait3A_132 = arith.constant 0 : i32
      %dma_wait3A_133 = tpu.memref_slice %arg4[%add3A_67, %dma_wait3A_132] : memref<819200x64xf32, #tpu.memory_space<hbm>> -> memref<128x64xf32, #tpu.memory_space<hbm>>
      %dma_wait3A_134 = arith.constant 0 : i32
      %dma_wait3A_135 = arith.constant 0 : i32
      %dma_wait3A_136 = tpu.memref_slice %arg6[%run_scoped3A, %dma_wait3A_134, %dma_wait3A_135] : memref<4x128x64xf32, #tpu.memory_space<vmem>> -> memref<1x128x64xf32, #tpu.memory_space<vmem>>
      %dma_wait3A_137 = tpu.memref_squeeze %dma_wait3A_136 : memref<1x128x64xf32, #tpu.memory_space<vmem>> -> memref<128x64xf32, #tpu.memory_space<vmem>>
      tpu.wait_dma2 semaphore(%run_scoped3A_113 : memref<!tpu.dma_semaphore, #tpu.memory_space<semaphore_mem>>) src(%dma_wait3A_137 : memref<128x64xf32, #tpu.memory_space<vmem>>) dst(%dma_wait3A_133 : memref<128x64xf32, #tpu.memory_space<hbm>>)
      tpu.yield
    }) : () -> ()
    %dma_wait3A_68 = arith.constant 197 : i32
    %dma_wait3A_69 = arith.constant 1 : i32
    %dma_wait3A_70 = arith.constant 0 : i32
    %dma_wait3A_71 = arith.constant 0 : i32
    %dma_wait3A_72 = tpu.memref_slice %arg6[%dma_wait3A_69, %dma_wait3A_70, %dma_wait3A_71] : memref<4x128x64xf32, #tpu.memory_space<vmem>> -> memref<1x128x64xf32, #tpu.memory_space<vmem>>
    %dma_wait3A_73 = tpu.memref_squeeze %dma_wait3A_72 : memref<1x128x64xf32, #tpu.memory_space<vmem>> -> memref<128x64xf32, #tpu.memory_space<vmem>>
    %dma_wait3A_74 = arith.constant 0 : i32
    %dma_wait3A_75 = tpu.memref_slice %arg5[%dma_wait3A_68, %dma_wait3A_74] : memref<200x128xi32, #tpu.memory_space<vmem>> -> memref<1x128xi32, #tpu.memory_space<vmem>>
    %dma_wait3A_76 = tpu.memref_squeeze %dma_wait3A_75 : memref<1x128xi32, #tpu.memory_space<vmem>> -> memref<128xi32, #tpu.memory_space<vmem>>
    %dma_wait3A_77 = arith.constant 0 : i32
    %dma_wait3A_78 = arith.constant 0 : i32
    %dma_wait3A_79 = tpu.memref_slice %arg3[%dma_wait3A_77, %dma_wait3A_78] : memref<1000000x64xf32, #tpu.memory_space<hbm>> -> memref<1000000x64xf32, #tpu.memory_space<hbm>>
    tpu.wait_indirect_dma semaphore(%arg7 : memref<!tpu.dma_semaphore, #tpu.memory_space<semaphore_mem>>) src(%dma_wait3A_79 : memref<1000000x64xf32, #tpu.memory_space<hbm>>) dst(%dma_wait3A_73 : memref<128x64xf32, #tpu.memory_space<vmem>>)
    %add3A_80 = arith.constant 25216 : i32
    %add3A_81 = arith.addi %mul3A_2, %add3A_80 : i32
    %run_scoped3A_82 = arith.constant 1 : i32
    "tpu.region"() ({
      %run_scoped3A_113 = tpu.sem_alloc : memref<!tpu.dma_semaphore, #tpu.memory_space<semaphore_mem>>
      %dma_start3A_114 = arith.constant 0 : i32
      %dma_start3A_115 = arith.constant 0 : i32
      %dma_start3A_116 = tpu.memref_slice %arg6[%run_scoped3A_82, %dma_start3A_114, %dma_start3A_115] : memref<4x128x64xf32, #tpu.memory_space<vmem>> -> memref<1x128x64xf32, #tpu.memory_space<vmem>>
      %dma_start3A_117 = tpu.memref_squeeze %dma_start3A_116 : memref<1x128x64xf32, #tpu.memory_space<vmem>> -> memref<128x64xf32, #tpu.memory_space<vmem>>
      %dma_start3A_118 = arith.constant 0 : i32
      %dma_start3A_119 = tpu.memref_slice %arg4[%add3A_81, %dma_start3A_118] : memref<819200x64xf32, #tpu.memory_space<hbm>> -> memref<128x64xf32, #tpu.memory_space<hbm>>
      %dma_start3A_120 = arith.constant 0 : i32
      %dma_start3A_121 = tpu.memref_slice %arg4[%add3A_81, %dma_start3A_120] : memref<819200x64xf32, #tpu.memory_space<hbm>> -> memref<128x64xf32, #tpu.memory_space<hbm>>
      %dma_start3A_122 = arith.constant 0 : i32
      %dma_start3A_123 = arith.constant 0 : i32
      %dma_start3A_124 = tpu.memref_slice %arg6[%run_scoped3A_82, %dma_start3A_122, %dma_start3A_123] : memref<4x128x64xf32, #tpu.memory_space<vmem>> -> memref<1x128x64xf32, #tpu.memory_space<vmem>>
      %dma_start3A_125 = tpu.memref_squeeze %dma_start3A_124 : memref<1x128x64xf32, #tpu.memory_space<vmem>> -> memref<128x64xf32, #tpu.memory_space<vmem>>
      tpu.enqueue_dma source(%dma_start3A_125 : memref<128x64xf32, #tpu.memory_space<vmem>>) target(%dma_start3A_121 : memref<128x64xf32, #tpu.memory_space<hbm>>) target_semaphore(%run_scoped3A_113 : memref<!tpu.dma_semaphore, #tpu.memory_space<semaphore_mem>>)
      %dma_wait3A_126 = arith.constant 0 : i32
      %dma_wait3A_127 = arith.constant 0 : i32
      %dma_wait3A_128 = tpu.memref_slice %arg6[%run_scoped3A_82, %dma_wait3A_126, %dma_wait3A_127] : memref<4x128x64xf32, #tpu.memory_space<vmem>> -> memref<1x128x64xf32, #tpu.memory_space<vmem>>
      %dma_wait3A_129 = tpu.memref_squeeze %dma_wait3A_128 : memref<1x128x64xf32, #tpu.memory_space<vmem>> -> memref<128x64xf32, #tpu.memory_space<vmem>>
      %dma_wait3A_130 = arith.constant 0 : i32
      %dma_wait3A_131 = tpu.memref_slice %arg4[%add3A_81, %dma_wait3A_130] : memref<819200x64xf32, #tpu.memory_space<hbm>> -> memref<128x64xf32, #tpu.memory_space<hbm>>
      %dma_wait3A_132 = arith.constant 0 : i32
      %dma_wait3A_133 = tpu.memref_slice %arg4[%add3A_81, %dma_wait3A_132] : memref<819200x64xf32, #tpu.memory_space<hbm>> -> memref<128x64xf32, #tpu.memory_space<hbm>>
      %dma_wait3A_134 = arith.constant 0 : i32
      %dma_wait3A_135 = arith.constant 0 : i32
      %dma_wait3A_136 = tpu.memref_slice %arg6[%run_scoped3A_82, %dma_wait3A_134, %dma_wait3A_135] : memref<4x128x64xf32, #tpu.memory_space<vmem>> -> memref<1x128x64xf32, #tpu.memory_space<vmem>>
      %dma_wait3A_137 = tpu.memref_squeeze %dma_wait3A_136 : memref<1x128x64xf32, #tpu.memory_space<vmem>> -> memref<128x64xf32, #tpu.memory_space<vmem>>
      tpu.wait_dma2 semaphore(%run_scoped3A_113 : memref<!tpu.dma_semaphore, #tpu.memory_space<semaphore_mem>>) src(%dma_wait3A_137 : memref<128x64xf32, #tpu.memory_space<vmem>>) dst(%dma_wait3A_133 : memref<128x64xf32, #tpu.memory_space<hbm>>)
      tpu.yield
    }) : () -> ()
    %dma_wait3A_83 = arith.constant 198 : i32
    %dma_wait3A_84 = arith.constant 2 : i32
    %dma_wait3A_85 = arith.constant 0 : i32
    %dma_wait3A_86 = arith.constant 0 : i32
    %dma_wait3A_87 = tpu.memref_slice %arg6[%dma_wait3A_84, %dma_wait3A_85, %dma_wait3A_86] : memref<4x128x64xf32, #tpu.memory_space<vmem>> -> memref<1x128x64xf32, #tpu.memory_space<vmem>>
    %dma_wait3A_88 = tpu.memref_squeeze %dma_wait3A_87 : memref<1x128x64xf32, #tpu.memory_space<vmem>> -> memref<128x64xf32, #tpu.memory_space<vmem>>
    %dma_wait3A_89 = arith.constant 0 : i32
    %dma_wait3A_90 = tpu.memref_slice %arg5[%dma_wait3A_83, %dma_wait3A_89] : memref<200x128xi32, #tpu.memory_space<vmem>> -> memref<1x128xi32, #tpu.memory_space<vmem>>
    %dma_wait3A_91 = tpu.memref_squeeze %dma_wait3A_90 : memref<1x128xi32, #tpu.memory_space<vmem>> -> memref<128xi32, #tpu.memory_space<vmem>>
    %dma_wait3A_92 = arith.constant 0 : i32
    %dma_wait3A_93 = arith.constant 0 : i32
    %dma_wait3A_94 = tpu.memref_slice %arg3[%dma_wait3A_92, %dma_wait3A_93] : memref<1000000x64xf32, #tpu.memory_space<hbm>> -> memref<1000000x64xf32, #tpu.memory_space<hbm>>
    tpu.wait_indirect_dma semaphore(%arg7 : memref<!tpu.dma_semaphore, #tpu.memory_space<semaphore_mem>>) src(%dma_wait3A_94 : memref<1000000x64xf32, #tpu.memory_space<hbm>>) dst(%dma_wait3A_88 : memref<128x64xf32, #tpu.memory_space<vmem>>)
    %add3A_95 = arith.constant 25344 : i32
    %add3A_96 = arith.addi %mul3A_2, %add3A_95 : i32
    %run_scoped3A_97 = arith.constant 2 : i32
    "tpu.region"() ({
      %run_scoped3A_113 = tpu.sem_alloc : memref<!tpu.dma_semaphore, #tpu.memory_space<semaphore_mem>>
      %dma_start3A_114 = arith.constant 0 : i32
      %dma_start3A_115 = arith.constant 0 : i32
      %dma_start3A_116 = tpu.memref_slice %arg6[%run_scoped3A_97, %dma_start3A_114, %dma_start3A_115] : memref<4x128x64xf32, #tpu.memory_space<vmem>> -> memref<1x128x64xf32, #tpu.memory_space<vmem>>
      %dma_start3A_117 = tpu.memref_squeeze %dma_start3A_116 : memref<1x128x64xf32, #tpu.memory_space<vmem>> -> memref<128x64xf32, #tpu.memory_space<vmem>>
      %dma_start3A_118 = arith.constant 0 : i32
      %dma_start3A_119 = tpu.memref_slice %arg4[%add3A_96, %dma_start3A_118] : memref<819200x64xf32, #tpu.memory_space<hbm>> -> memref<128x64xf32, #tpu.memory_space<hbm>>
      %dma_start3A_120 = arith.constant 0 : i32
      %dma_start3A_121 = tpu.memref_slice %arg4[%add3A_96, %dma_start3A_120] : memref<819200x64xf32, #tpu.memory_space<hbm>> -> memref<128x64xf32, #tpu.memory_space<hbm>>
      %dma_start3A_122 = arith.constant 0 : i32
      %dma_start3A_123 = arith.constant 0 : i32
      %dma_start3A_124 = tpu.memref_slice %arg6[%run_scoped3A_97, %dma_start3A_122, %dma_start3A_123] : memref<4x128x64xf32, #tpu.memory_space<vmem>> -> memref<1x128x64xf32, #tpu.memory_space<vmem>>
      %dma_start3A_125 = tpu.memref_squeeze %dma_start3A_124 : memref<1x128x64xf32, #tpu.memory_space<vmem>> -> memref<128x64xf32, #tpu.memory_space<vmem>>
      tpu.enqueue_dma source(%dma_start3A_125 : memref<128x64xf32, #tpu.memory_space<vmem>>) target(%dma_start3A_121 : memref<128x64xf32, #tpu.memory_space<hbm>>) target_semaphore(%run_scoped3A_113 : memref<!tpu.dma_semaphore, #tpu.memory_space<semaphore_mem>>)
      %dma_wait3A_126 = arith.constant 0 : i32
      %dma_wait3A_127 = arith.constant 0 : i32
      %dma_wait3A_128 = tpu.memref_slice %arg6[%run_scoped3A_97, %dma_wait3A_126, %dma_wait3A_127] : memref<4x128x64xf32, #tpu.memory_space<vmem>> -> memref<1x128x64xf32, #tpu.memory_space<vmem>>
      %dma_wait3A_129 = tpu.memref_squeeze %dma_wait3A_128 : memref<1x128x64xf32, #tpu.memory_space<vmem>> -> memref<128x64xf32, #tpu.memory_space<vmem>>
      %dma_wait3A_130 = arith.constant 0 : i32
      %dma_wait3A_131 = tpu.memref_slice %arg4[%add3A_96, %dma_wait3A_130] : memref<819200x64xf32, #tpu.memory_space<hbm>> -> memref<128x64xf32, #tpu.memory_space<hbm>>
      %dma_wait3A_132 = arith.constant 0 : i32
      %dma_wait3A_133 = tpu.memref_slice %arg4[%add3A_96, %dma_wait3A_132] : memref<819200x64xf32, #tpu.memory_space<hbm>> -> memref<128x64xf32, #tpu.memory_space<hbm>>
      %dma_wait3A_134 = arith.constant 0 : i32
      %dma_wait3A_135 = arith.constant 0 : i32
      %dma_wait3A_136 = tpu.memref_slice %arg6[%run_scoped3A_97, %dma_wait3A_134, %dma_wait3A_135] : memref<4x128x64xf32, #tpu.memory_space<vmem>> -> memref<1x128x64xf32, #tpu.memory_space<vmem>>
      %dma_wait3A_137 = tpu.memref_squeeze %dma_wait3A_136 : memref<1x128x64xf32, #tpu.memory_space<vmem>> -> memref<128x64xf32, #tpu.memory_space<vmem>>
      tpu.wait_dma2 semaphore(%run_scoped3A_113 : memref<!tpu.dma_semaphore, #tpu.memory_space<semaphore_mem>>) src(%dma_wait3A_137 : memref<128x64xf32, #tpu.memory_space<vmem>>) dst(%dma_wait3A_133 : memref<128x64xf32, #tpu.memory_space<hbm>>)
      tpu.yield
    }) : () -> ()
    %dma_wait3A_98 = arith.constant 199 : i32
    %dma_wait3A_99 = arith.constant 3 : i32
    %dma_wait3A_100 = arith.constant 0 : i32
    %dma_wait3A_101 = arith.constant 0 : i32
    %dma_wait3A_102 = tpu.memref_slice %arg6[%dma_wait3A_99, %dma_wait3A_100, %dma_wait3A_101] : memref<4x128x64xf32, #tpu.memory_space<vmem>> -> memref<1x128x64xf32, #tpu.memory_space<vmem>>
    %dma_wait3A_103 = tpu.memref_squeeze %dma_wait3A_102 : memref<1x128x64xf32, #tpu.memory_space<vmem>> -> memref<128x64xf32, #tpu.memory_space<vmem>>
    %dma_wait3A_104 = arith.constant 0 : i32
    %dma_wait3A_105 = tpu.memref_slice %arg5[%dma_wait3A_98, %dma_wait3A_104] : memref<200x128xi32, #tpu.memory_space<vmem>> -> memref<1x128xi32, #tpu.memory_space<vmem>>
    %dma_wait3A_106 = tpu.memref_squeeze %dma_wait3A_105 : memref<1x128xi32, #tpu.memory_space<vmem>> -> memref<128xi32, #tpu.memory_space<vmem>>
    %dma_wait3A_107 = arith.constant 0 : i32
    %dma_wait3A_108 = arith.constant 0 : i32
    %dma_wait3A_109 = tpu.memref_slice %arg3[%dma_wait3A_107, %dma_wait3A_108] : memref<1000000x64xf32, #tpu.memory_space<hbm>> -> memref<1000000x64xf32, #tpu.memory_space<hbm>>
    tpu.wait_indirect_dma semaphore(%arg7 : memref<!tpu.dma_semaphore, #tpu.memory_space<semaphore_mem>>) src(%dma_wait3A_109 : memref<1000000x64xf32, #tpu.memory_space<hbm>>) dst(%dma_wait3A_103 : memref<128x64xf32, #tpu.memory_space<vmem>>)
    %add3A_110 = arith.constant 25472 : i32
    %add3A_111 = arith.addi %mul3A_2, %add3A_110 : i32
    %run_scoped3A_112 = arith.constant 3 : i32
    "tpu.region"() ({
      %run_scoped3A_113 = tpu.sem_alloc : memref<!tpu.dma_semaphore, #tpu.memory_space<semaphore_mem>>
      %dma_start3A_114 = arith.constant 0 : i32
      %dma_start3A_115 = arith.constant 0 : i32
      %dma_start3A_116 = tpu.memref_slice %arg6[%run_scoped3A_112, %dma_start3A_114, %dma_start3A_115] : memref<4x128x64xf32, #tpu.memory_space<vmem>> -> memref<1x128x64xf32, #tpu.memory_space<vmem>>
      %dma_start3A_117 = tpu.memref_squeeze %dma_start3A_116 : memref<1x128x64xf32, #tpu.memory_space<vmem>> -> memref<128x64xf32, #tpu.memory_space<vmem>>
      %dma_start3A_118 = arith.constant 0 : i32
      %dma_start3A_119 = tpu.memref_slice %arg4[%add3A_111, %dma_start3A_118] : memref<819200x64xf32, #tpu.memory_space<hbm>> -> memref<128x64xf32, #tpu.memory_space<hbm>>
      %dma_start3A_120 = arith.constant 0 : i32
      %dma_start3A_121 = tpu.memref_slice %arg4[%add3A_111, %dma_start3A_120] : memref<819200x64xf32, #tpu.memory_space<hbm>> -> memref<128x64xf32, #tpu.memory_space<hbm>>
      %dma_start3A_122 = arith.constant 0 : i32
      %dma_start3A_123 = arith.constant 0 : i32
      %dma_start3A_124 = tpu.memref_slice %arg6[%run_scoped3A_112, %dma_start3A_122, %dma_start3A_123] : memref<4x128x64xf32, #tpu.memory_space<vmem>> -> memref<1x128x64xf32, #tpu.memory_space<vmem>>
      %dma_start3A_125 = tpu.memref_squeeze %dma_start3A_124 : memref<1x128x64xf32, #tpu.memory_space<vmem>> -> memref<128x64xf32, #tpu.memory_space<vmem>>
      tpu.enqueue_dma source(%dma_start3A_125 : memref<128x64xf32, #tpu.memory_space<vmem>>) target(%dma_start3A_121 : memref<128x64xf32, #tpu.memory_space<hbm>>) target_semaphore(%run_scoped3A_113 : memref<!tpu.dma_semaphore, #tpu.memory_space<semaphore_mem>>)
      %dma_wait3A_126 = arith.constant 0 : i32
      %dma_wait3A_127 = arith.constant 0 : i32
      %dma_wait3A_128 = tpu.memref_slice %arg6[%run_scoped3A_112, %dma_wait3A_126, %dma_wait3A_127] : memref<4x128x64xf32, #tpu.memory_space<vmem>> -> memref<1x128x64xf32, #tpu.memory_space<vmem>>
      %dma_wait3A_129 = tpu.memref_squeeze %dma_wait3A_128 : memref<1x128x64xf32, #tpu.memory_space<vmem>> -> memref<128x64xf32, #tpu.memory_space<vmem>>
      %dma_wait3A_130 = arith.constant 0 : i32
      %dma_wait3A_131 = tpu.memref_slice %arg4[%add3A_111, %dma_wait3A_130] : memref<819200x64xf32, #tpu.memory_space<hbm>> -> memref<128x64xf32, #tpu.memory_space<hbm>>
      %dma_wait3A_132 = arith.constant 0 : i32
      %dma_wait3A_133 = tpu.memref_slice %arg4[%add3A_111, %dma_wait3A_132] : memref<819200x64xf32, #tpu.memory_space<hbm>> -> memref<128x64xf32, #tpu.memory_space<hbm>>
      %dma_wait3A_134 = arith.constant 0 : i32
      %dma_wait3A_135 = arith.constant 0 : i32
      %dma_wait3A_136 = tpu.memref_slice %arg6[%run_scoped3A_112, %dma_wait3A_134, %dma_wait3A_135] : memref<4x128x64xf32, #tpu.memory_space<vmem>> -> memref<1x128x64xf32, #tpu.memory_space<vmem>>
      %dma_wait3A_137 = tpu.memref_squeeze %dma_wait3A_136 : memref<1x128x64xf32, #tpu.memory_space<vmem>> -> memref<128x64xf32, #tpu.memory_space<vmem>>
      tpu.wait_dma2 semaphore(%run_scoped3A_113 : memref<!tpu.dma_semaphore, #tpu.memory_space<semaphore_mem>>) src(%dma_wait3A_137 : memref<128x64xf32, #tpu.memory_space<vmem>>) dst(%dma_wait3A_133 : memref<128x64xf32, #tpu.memory_space<hbm>>)
      tpu.yield
    }) : () -> ()
    return
  }
}

</mosaic_0001>

<sc_bundles>
// kernel: _sc_gather.3.cloned.1.call-start
scs
__scs_entry_jumppad:
0x0: {  	(pc) =	sbr.rel $0x88, $3  }
0x1: {  	(tag) =	ssettag $0x0;
	lr =	simm.s32 $0x1  }
0x2: {  	[smem:$0x3F9F] =	sst lr;
	_ =	strace $0xD0000000  }
0x3: {  	_ = 	snop  }
0x4: {  	_ = 	snop  }
0x5: {  	_ = 	snop  }
0x6: {  	_ = 	snop  }
0x7: {  	_ = 	snop  }
__scs_overlays_trampoline_lowered:
0x8: {  	[smem:$0x3FAE] =	sst s0  }
0x9: {  	[smem:$0x3FAF] =	sst s1  }
0xa: {  	[smem:$0x3FB0] =	sst s2  }
0xb: {  	[smem:$0x3FB1] =	sst s3  }
0xc: {  	[smem:$0x3FB2] =	sst s4  }
0xd: {  	[smem:$0x3FB3] =	sst s5  }
0xe: {  	[smem:$0x3FB4] =	sst s6  }
0xf: {  	[smem:$0x3FB5] =	sst s7  }
0x10: {  	[smem:$0x3FB6] =	sst s8  }
0x11: {  	[smem:$0x3FB7] =	sst s9;
	s0 =	simm.s32 @!p0 $0x0  }
0x12: {  	s1 =	sld [smem:$0x3F9D];
	s0 =	simm.s32 @p0 $0x1  }
0x13: {  	[smem:$0x3FB8] =	sst s0;
	s0 =	simm.s32 @!p1 $0x0  }
0x14: {  	s2 =	sld [smem:$0x3F9C];
	s0 =	simm.s32 @p1 $0x1  }
0x15: {  	[smem:$0x3FB9] =	sst s0;
	s0 =	simm.s32 @!p2 $0x0  }
0x16: {  	s3 =	sld [smem:$0x3FDB];
	s0 =	simm.s32 @p2 $0x1  }
0x17: {  	s4 =	simm.s32 $0x1BF5;
	[smem:$0x3FBB] =	sst s0  }
0x18: {  	s0 =	sld [smem:$0x3F9E];
	_ =	swait.ge [sflag:s4], $0x0  }
0x19: {  	s7 =	sld [smem:$0x3F9F]  }
0x1a: {  	s8 =	sadd.s32 $0xFFFFE003, lr  }
0x1b: {  	s9 =	sadd.s32 $0xFFFFFEF7, lr;
	s5 =	simm.s32 $0xFFFFFFFF;
	p2 =	slt.u32 s8, $0xFFFFF086  }
0x1c: {  	p1 =	slt.u32 s9, $0xF7A;
	s5 =	simm.s32 @!p2 $0x0  }
0x1d: {  	s5 =	simm.s32 @p1 $0x1;
	p0 =	seq.s32 s7, s2  }
0x1e: {  	s7 =	smul.u32 @!p0 $0xF7A, s2;
	p2 =	seq.s32 @!p0 s5, $0x0  }
0x1f: {  	s9 =	smul.u32 $0xF7A, s1;
	s8 =	simm.s32 @!p0 $0x1BF5;
	p2 =	por !p2, p0  }
0x20: {  	[sflag:s8] =	ssyncset.s32 @!p0 $0xFFFFF086;
	s6 =	sadd.s32 @!p0 s3, s7;
	s7 =	simm.s32 @!p0 $0x108  }
0x21: {  	s3 =	sadd.s32 s3, s9;
	s6 =	sadd.s32 @!p0 $0x88, s6;
	s7 =	simm.s32 @p2 $0x1082  }
0x22: {  	[simem:s7], [sflag:s8] =	dma.local @!p0 [hbm:s6], $0xF7A  }
0x23: {  	s9 =	sor.u32 $0xD0000000, s2;
	s6 =	simm.s32 $0x108;
	_ =	swait.ge @!p0 [sflag:s8], $0x0  }
0x24: {  	s3 =	sadd.s32 $0x88, s3;
	s6 =	simm.s32 @!p1 $0x1082;
	[sflag:s4] =	ssyncset.s32 $0xFFFFF086  }
0x25: {  	[simem:s6], [sflag:s4] =	dma.local [hbm:s3], $0xF7A  }
0x26: {  	[smem:$0x3F9F] =	sst s1;
	(tag) =	ssettag s2;
	_ =	strace s9  }
0x27: {  	s1 =	sld [smem:$0x3FAF]  }
0x28: {  	s2 =	sld [smem:$0x3FB0]  }
0x29: {  	s4 =	sld [smem:$0x3FB2]  }
0x2a: {  	p0 =	seq.s32 s5, $0x0;
	s5 =	sld [smem:$0x3FB3]  }
0x2b: {  	s6 =	sld [smem:$0x3FB4]  }
0x2c: {  	s7 =	sld [smem:$0x3FB5]  }
0x2d: {  	s3 =	simm.s32 $0x108;
	s8 =	sld [smem:$0x3FB6]  }
0x2e: {  	s3 =	simm.s32 @!p0 $0x1082;
	s9 =	sld [smem:$0x3FB7]  }
0x2f: {  	lr =	sadd.s32 s0, s3;
	s0 =	sld [smem:$0x3FAE]  }
0x30: {  	s3 =	sld [smem:$0x3FB1]  }
0x31: {  	[smem:$0x3FBA] =	sst s10  }
0x32: {  	s10 =	sld [smem:$0x3FB8];
	_ =	sdelay $0x3  }
0x33: {  	p0 =	seq.s32 s10, $0x1;
	s10 =	sld [smem:$0x3FBA];
	_ =	sdelay $0x3  }
0x34: {  	[smem:$0x3FBA] =	sst s10  }
0x35: {  	s10 =	sld [smem:$0x3FB9];
	_ =	sdelay $0x3  }
0x36: {  	p1 =	seq.s32 s10, $0x1;
	s10 =	sld [smem:$0x3FBA];
	_ =	sdelay $0x3  }
0x37: {  	[smem:$0x3FBA] =	sst s10  }
0x38: {  	s10 =	sld [smem:$0x3FBB]  }
0x39: {  	_ = 	snop;
	(pc) =	sbr.ind lr, $3  }
0x3a: {  	_ = 	snop  }
0x3b: {  	_ = 	snop  }
0x3c: {  	p2 =	seq.s32 s10, $0x1;
	s10 =	sld [smem:$0x3FBA]  }
0x3d: {  	_ =	shalt  }
0x3e: {  	_ =	shalt  }
0x3f: {  	_ =	shalt  }
0x40: {  	_ =	shalt  }
0x41: {  	_ =	shalt  }
0x42: {  	_ =	shalt  }
0x43: {  	_ =	shalt  }
0x44: {  	_ =	shalt  }
0x45: {  	_ =	shalt  }
0x46: {  	_ =	shalt  }
0x47: {  	_ =	shalt  }
0x48: {  	_ =	shalt  }
0x49: {  	_ =	shalt  }
0x4a: {  	_ =	shalt  }
0x4b: {  	_ =	shalt  }
0x4c: {  	_ =	shalt  }
0x4d: {  	_ =	shalt  }
0x4e: {  	_ =	shalt  }
0x4f: {  	_ =	shalt  }
0x50: {  	_ =	shalt  }
0x51: {  	_ =	shalt  }
0x52: {  	_ =	shalt  }
0x53: {  	_ =	shalt  }
0x54: {  	_ =	shalt  }
0x55: {  	_ =	shalt  }
0x56: {  	_ =	shalt  }
0x57: {  	_ =	shalt  }
0x58: {  	_ =	shalt  }
0x59: {  	_ =	shalt  }
0x5a: {  	_ =	shalt  }
0x5b: {  	_ =	shalt  }
0x5c: {  	_ =	shalt  }
0x5d: {  	_ =	shalt  }
0x5e: {  	_ =	shalt  }
0x5f: {  	_ =	shalt  }
0x60: {  	_ =	shalt  }
0x61: {  	_ =	shalt  }
0x62: {  	_ =	shalt  }
0x63: {  	_ =	shalt  }
0x64: {  	_ =	shalt  }
0x65: {  	_ =	shalt  }
0x66: {  	_ =	shalt  }
0x67: {  	_ =	shalt  }
0x68: {  	_ =	shalt  }
0x69: {  	_ =	shalt  }
0x6a: {  	_ =	shalt  }
0x6b: {  	_ =	shalt  }
0x6c: {  	_ =	shalt  }
0x6d: {  	_ =	shalt  }
0x6e: {  	_ =	shalt  }
0x6f: {  	_ =	shalt  }
0x70: {  	_ =	shalt  }
0x71: {  	_ =	shalt  }
0x72: {  	_ =	shalt  }
0x73: {  	_ =	shalt  }
0x74: {  	_ =	shalt  }
0x75: {  	_ =	shalt  }
0x76: {  	_ =	shalt  }
0x77: {  	_ =	shalt  }
0x78: {  	_ =	shalt  }
0x79: {  	_ =	shalt  }
0x7a: {  	_ =	shalt  }
0x7b: {  	_ =	shalt  }
0x7c: {  	_ =	shalt  }
0x7d: {  	_ =	shalt  }
0x7e: {  	_ =	shalt  }
0x7f: {  	_ =	shalt  }
0x80: {  	_ =	shalt  }
0x81: {  	_ =	shalt  }
0x82: {  	_ =	shalt  }
0x83: {  	_ =	shalt  }
0x84: {  	_ =	shalt  }
0x85: {  	_ =	shalt  }
0x86: {  	_ =	shalt  }
0x87: {  	_ =	shalt  }
.Lfunc_end0:
.L_simem_size_0:
called_computation.1_lowered:
.L_overlay_start_0:
0x88: {  	s2 =	sld [smem:$0x3FD9]  }
0x89: {  	s3 =	sld [smem:$0x3FFE];
	_ =	sdelay $0x1  }
0x8a: {  	s1 =	srdreg.scid  }
0x8b: {  	s0 =	sand.u32 $0x1, s1  }
0x8c: {  	s17 =	sshll.u32 s0, $0xA;
	s2 =	sadd.s32 s3, s2  }
0x8d: {  	s2 =	sadd.s32 s2, s17  }
0x8e: {  	[smem:$0x3FC6] =	sst s2  }
0x8f: {  	_ = 	snop  }
0x90: {  	s2 =	sld [smem:$0x3FC9]  }
0x91: {  	s18 =	sld [smem:$0x3FD0];
	(tm) =	ssettm $0x1  }
0x92: {  	s4 =	sld [smem:$0x3FFB];
	_ =	sdelay $0x3  }
0x93: {  	_ =	strace s4  }
0x94: {  	s4 =	sld [smem:$0x3FFC];
	_ =	sdelay $0x3  }
0x95: {  	_ =	strace s4  }
0x96: {  	s4 =	sld [smem:$0x3FFD];
	_ =	sdelay $0x3  }
0x97: {  	_ =	strace s4  }
0x98: {  	_ =	strace $0x8FFFFFFF  }
0x99: {  	s19 =	sld [smem:$0x3FDB];
	_ =	sdelay $0x1  }
0x9a: {  	s5 =	simm.s32 $_scs_section_size  }
0x9b: {  	s6 =	simm.s32 $_size__tile_overlayer_lowered;
	s7 =	simm.s32 $_tile_overlayer_lowered  }
0x9c: {  	s22 =	simm.s32 $0x1BFF;
	s21 =	sshll.u32 s7, $0x1;
	s4 =	sadd.s32 s5, s19  }
0x9d: {  	s8 =	simm.s32 $0x0;
	s20 =	sshll.u32 s6, $0x1;
	s6 =	sadd.s32 s21, s4  }
0x9e: {  	[timem:s8], [sflag:s22] =	dma.local [hbm:s6], s20  }
0x9f: {  	_ =	swait.ge [sflag:s22], s20  }
0xa0: {  	s5 =	ssub.s32 $0x0, s20;
	[sflag:s22] =	ssyncset.done $0x0  }
0xa1: {  	[sflag:s22] =	ssyncadd.s32 s5;
	_ =	sdelay $0x1  }
0xa2: {  	s23 =	simm.s32 $0x1B8B  }
0xa3: {  	_ =	swait.ge [sflag:s23], $0x1  }
0xa4: {  	[sflag:s23] =	ssyncset.done $0x0  }
0xa5: {  	s25 =	simm.s32 $0x1B8E;
	s24 =	sld [smem:$0x3FFE];
	[sflag:s23] =	ssyncadd.s32 $0xFFFFFFFF  }
0xa6: {  	s26 =	simm.s32 $execute0_lowered;
	[smem:$0x3FD2] =	sst s25  }
0xa7: {  	s6 =	sshll.u32 s26, $0x1;
	_ =	strace $0x80000046;
	[dreg:$0x1] =	wrdreg $0xFFFFFFFF  }
0xa8: {  	s28 =	simm.s32 $_size_execute0_lowered;
	s4 =	sadd.s32 s4, s6;
	[dreg:$0x0] =	wrdreg $0x0  }
0xa9: {  	s6 =	sshll.u32 s28, $0x1;
	[dreg:$0x2] =	wrdreg s4  }
0xaa: {  	[dreg:$0x3] =	wrdreg s6  }
0xab: {  	[dreg:$0x4] =	wrdreg $0xC0  }
0xac: {  	_ =	task [dreg:s8], $0x5FFFF  }
0xad: {  	[dreg:$0x1] =	wrdreg $0xFFFFFFFF  }
0xae: {  	[dreg:$0x0] =	wrdreg $0x60  }
0xaf: {  	[dreg:$0x2] =	wrdreg s2  }
0xb0: {  	[dreg:$0x3] =	wrdreg s24  }
0xb1: {  	[dreg:$0x4] =	wrdreg s18  }
0xb2: {  	[dreg:$0x5] =	wrdreg $0x9  }
0xb3: {  	_ =	task.clear_ibuf [dreg:s8], $0x6FFFF;
	_ =	strace $0x90000046  }
0xb4: {  	s29 =	simm.s32 $0x9;
	_ =	strace $0x80000048  }
0xb5: {  	_ =	swait.ge [sflag:s29], $0x1  }
0xb6: {  	[sflag:s29] =	ssyncadd.s32 $0xFFFFFFFF  }
0xb7: {  	_ =	strace $0x90000048  }
0xb8: {  	_ =	sfence  }
0xb9: {  	s30 =	sld [smem:$0x0];
	_ =	sdelay $0x2  }
0xba: {  	s31 =	sshll.u32 s1, $0xD;
	s1 =	sshrl.u32 s1, $0x2  }
0xbb: {  	s3 =	sand.u32 $0x4000, s31;
	s1 =	sadd.s32 s1, s30  }
0xbc: {  	s0 =	sor.u32 s3, s0;
	s1 =	sshll.u32 s1, $0x11  }
0xbd: {  	s0 =	sor.u32 s1, s0  }
0xbe: {  	s0 =	sadd.s32 $0x8F2B, s0  }
0xbf: {  	[sflag:s0] =	ssyncadd.remote.s32 $0x1  }
0xc0: {  	_ =	sfence.sel $0xFFFF  }
0xc1: {  	[dreg:$0x0] =	wrdreg $0xFFFFFFFF;
	(pc) =	sbr.abs _section_cstart, $3  }
0xc2: {  	[dreg:$0x1] =	wrdreg $0xFFFFFFFF  }
0xc3: {  	_ =	task.clear_ibuf [dreg:s8], $0x2FFFF;
	_ =	strace $0x9FFFFFFF  }
0xc4: {  	(tm) =	ssettm $0x7FFFFFFF  }
0xc5: {  	_ =	shalt  }
tec
execute0_lowered:
.L_overlay_start_1:
0x0: {  	(tag) =	ssettag $0x1  }
0x1: {  	s4 =	rddreg [dreg:$0x0]  }
0x2: {  	s1 =	srdreg.scid;
	s3 =	rddreg [dreg:$0x1]  }
0x3: {  	s0 =	stileid.u32;
	s10 =	rddreg [dreg:$0x2]  }
0x4: {  	s2 =	simm.s32 $0x0;
	s15 =	simm.s32 $0x80;
	s16 =	simm.s32 $0x6400  }
0x5: {  	s17 =	simm.s32 $0x8400;
	s18 =	simm.s32 $0x100;
	s19 =	simm.s32 $0xA400  }
0x6: {  	s20 =	simm.s32 $0x180;
	s21 =	simm.s32 $0xC400;
	s22 =	simm.s32 $0x1  }
0x7: {  	s23 =	simm.s32 $0x0;
	s5 =	sand.u32 $0x1, s1;
	s11 =	smul.u32 $0x320000, s0  }
0x8: {  	s29 =	sshll.u32 s0, $0x1;
	s1 =	rddreg [dreg:$0x3];
	s30 =	smul.u32 $0xC800, s0  }
0x9: {  	[smem:$0x7FF] =	sst s2;
	s3 =	sadd.s32 $0xF42C00, s3;
	s12 =	smul.u32 $0x6400, s5  }
0xa: {  	s6 =	sor.u32 s5, s29;
	s8 =	ssub.s32 $0x2, s5;
	s14 =	smul.u32 $0x190000, s5  }
0xb: {  	_ =	strace $0x80000047;
	s7 =	smul.u32 $0x6400, s6;
	s9 =	sshrl.u32 s8, $0x1  }
0xc: {  	s6 =	smul.u32 $0x190000, s6;
	s9 =	ssub.s32 s8, s9;
	s8 =	sadd.s32 s12, s30  }
0xd: {  	s11 =	sadd.s32 s14, s11;
	s14 =	simm.s32 $0x2;
	s7 =	sshrl.u32 s7, $0x3  }
0xe: {  	s6 =	sshrl.u32 s6, $0x3;
	s12 =	sshll.u32 s8, $0x3;
	s11 =	sshrl.u32 s11, $0x3  }
0xf: {  	s9 =	smax.u32 s9, $0x1;
	s4 =	sadd.s32 s4, s7;
	s13 =	sadd.s32 s10, s6  }
0x10: {  	s31 =	sadd.s32 s12, s10;
	s10 =	sadd.s32 s11, s10;
	s5 =	sadd.s32 $0x31000, s13  }
0x11: {  	s6 =	sadd.s32 $0x31400, s13;
	s7 =	sadd.s32 $0x31800, s13;
	s8 =	sadd.s32 $0x31C00, s13  }
0x12: {  	s11 =	sadd.s32 $0xC00, s31;
	s12 =	sadd.s32 $0x800, s31;
	s13 =	sadd.s32 $0x400, s31  }
.LBB2_1:
0x13: {  	[tilespmem:s2], [sflag:$0x2] =	stream.linear.gather [hbm4b:s4+s2], $0x6400, $0x38;
	[tilespmem:$0xE400] =	vst v63  }
0x14: {  	_ =	swait.ge [sflag:s14], $0x6400  }
0x15: {  	[sflag:s14] =	ssyncset.done $0x0  }
0x16: {  	[sflag:s14] =	ssyncadd.s32 $0xFFFF9C00  }
0x17: {  	[tilespmem:s16], [sflag:$0x1] =	stream.indirect.gather [hbm4b:s3+s15], $0x40, s2, s15, $0xb8;
	[tilespmem:$0xE400] =	vst v63  }
0x18: {  	_ = 	snop  }
0x19: {  	[tilespmem:s17], [sflag:$0x1] =	stream.indirect.gather [hbm4b:s3+s15], $0x40, s15, s15, $0xb8;
	[tilespmem:$0xE400] =	vst v63  }
0x1a: {  	_ = 	snop  }
0x1b: {  	[tilespmem:s19], [sflag:$0x1] =	stream.indirect.gather [hbm4b:s3+s15], $0x40, s18, s15, $0xb8;
	[tilespmem:$0xE400] =	vst v63  }
0x1c: {  	_ = 	snop  }
0x1d: {  	[tilespmem:s21], [sflag:$0x1] =	stream.indirect.gather [hbm4b:s3+s15], $0x40, s20, s15, $0xb8;
	[tilespmem:$0xE400] =	vst v63  }
0x1e: {  	_ =	swait.ge [sflag:s22], $0x2000  }
0x1f: {  	[sflag:s22] =	ssyncset.done $0x0  }
0x20: {  	s24 =	sadd.s32 $0x0, s10;
	[sflag:s22] =	ssyncadd.s32 $0xFFFFE000  }
0x21: {  	[hbm4b:s24+s2] =	stream.linear.scatter [tilespmem:s16], [sflag:$0x2], $0x2000, $0x38;
	[tilespmem:$0xE400] =	vst v63  }
0x22: {  	_ =	swait.ge [sflag:s14], $0x2000  }
0x23: {  	[sflag:s14] =	ssyncset.done $0x0  }
0x24: {  	s25 =	simm.s32 $0x200;
	[sflag:s14] =	ssyncadd.s32 $0xFFFFE000  }
0x25: {  	[tilespmem:s16], [sflag:$0x1] =	stream.indirect.gather [hbm4b:s3+s15], $0x40, s25, s15, $0xb8;
	[tilespmem:$0xE400] =	vst v63  }
0x26: {  	_ =	swait.ge [sflag:s22], $0x2000  }
0x27: {  	[sflag:s22] =	ssyncset.done $0x0  }
0x28: {  	s26 =	sadd.s32 $0x0, s13;
	[sflag:s22] =	ssyncadd.s32 $0xFFFFE000  }
0x29: {  	[hbm4b:s26+s2] =	stream.linear.scatter [tilespmem:s17], [sflag:$0x2], $0x2000, $0x38;
	[tilespmem:$0xE400] =	vst v63  }
0x2a: {  	_ =	swait.ge [sflag:s14], $0x2000  }
0x2b: {  	[sflag:s14] =	ssyncset.done $0x0  }
0x2c: {  	s28 =	simm.s32 $0x280;
	[sflag:s14] =	ssyncadd.s32 $0xFFFFE000  }
0x2d: {  	[tilespmem:s17], [sflag:$0x1] =	stream.indirect.gather [hbm4b:s3+s15], $0x40, s28, s15, $0xb8;
	[tilespmem:$0xE400] =	vst v63  }
0x2e: {  	_ =	swait.ge [sflag:s22], $0x2000  }
0x2f: {  	[sflag:s22] =	ssyncset.done $0x0  }
0x30: {  	s29 =	sadd.s32 $0x0, s12;
	[sflag:s22] =	ssyncadd.s32 $0xFFFFE000  }
0x31: {  	[hbm4b:s29+s2] =	stream.linear.scatter [tilespmem:s19], [sflag:$0x2], $0x2000, $0x38;
	[tilespmem:$0xE400] =	vst v63  }
0x32: {  	_ =	swait.ge [sflag:s14], $0x2000  }
0x33: {  	[sflag:s14] =	ssyncset.done $0x0  }
0x34: {  	s30 =	simm.s32 $0x300;
	[sflag:s14] =	ssyncadd.s32 $0xFFFFE000  }
0x35: {  	[tilespmem:s19], [sflag:$0x1] =	stream.indirect.gather [hbm4b:s3+s15], $0x40, s30, s15, $0xb8;
	[tilespmem:$0xE400] =	vst v63  }
0x36: {  	_ =	swait.ge [sflag:s22], $0x2000  }
0x37: {  	[sflag:s22] =	ssyncset.done $0x0  }
0x38: {  	s31 =	sadd.s32 $0x0, s11;
	[sflag:s22] =	ssyncadd.s32 $0xFFFFE000  }
0x39: {  	[hbm4b:s31+s2] =	stream.linear.scatter [tilespmem:s21], [sflag:$0x2], $0x2000, $0x38;
	[tilespmem:$0xE400] =	vst v63  }
0x3a: {  	_ =	swait.ge [sflag:s14], $0x2000  }
0x3b: {  	s24 =	simm.s32 $0x380;
	[sflag:s14] =	ssyncset.done $0x0  }
0x3c: {  	s25 =	simm.s32 $0x1000;
	s26 =	simm.s32 $0x580;
	[sflag:s14] =	ssyncadd.s32 $0xFFFFE000  }
.LBB2_2:
0x3d: {  	[tilespmem:s21], [sflag:$0x1] =	stream.indirect.gather [hbm4b:s3+s15], $0x40, s24, s15, $0xb8;
	[tilespmem:$0xE400] =	vst v63  }
0x3e: {  	s28 =	smov.u32 s25;
	s24 =	smov.u32 s26  }
0x3f: {  	p0 =	sne.s32 s25, $0x30000;
	s25 =	sadd.s32 $0x1000, s25;
	_ =	swait.ge [sflag:s22], $0x2000  }
0x40: {  	[sflag:s22] =	ssyncset.done $0x0  }
0x41: {  	s29 =	sadd.s32 s28, s10;
	[sflag:s22] =	ssyncadd.s32 $0xFFFFE000  }
0x42: {  	[hbm4b:s29+s2] =	stream.linear.scatter [tilespmem:s16], [sflag:$0x2], $0x2000, $0x38;
	[tilespmem:$0xE400] =	vst v63  }
0x43: {  	_ =	swait.ge [sflag:s14], $0x2000  }
0x44: {  	[sflag:s14] =	ssyncset.done $0x0  }
0x45: {  	s29 =	sadd.s32 $0xFFFFFE80, s26;
	[sflag:s14] =	ssyncadd.s32 $0xFFFFE000  }
0x46: {  	[tilespmem:s16], [sflag:$0x1] =	stream.indirect.gather [hbm4b:s3+s15], $0x40, s29, s15, $0xb8;
	[tilespmem:$0xE400] =	vst v63  }
0x47: {  	_ =	swait.ge [sflag:s22], $0x2000  }
0x48: {  	[sflag:s22] =	ssyncset.done $0x0  }
0x49: {  	s29 =	sadd.s32 s28, s13;
	[sflag:s22] =	ssyncadd.s32 $0xFFFFE000  }
0x4a: {  	[hbm4b:s29+s2] =	stream.linear.scatter [tilespmem:s17], [sflag:$0x2], $0x2000, $0x38;
	[tilespmem:$0xE400] =	vst v63  }
0x4b: {  	_ =	swait.ge [sflag:s14], $0x2000  }
0x4c: {  	[sflag:s14] =	ssyncset.done $0x0  }
0x4d: {  	s29 =	sadd.s32 $0xFFFFFF00, s26;
	[sflag:s14] =	ssyncadd.s32 $0xFFFFE000  }
0x4e: {  	[tilespmem:s17], [sflag:$0x1] =	stream.indirect.gather [hbm4b:s3+s15], $0x40, s29, s15, $0xb8;
	[tilespmem:$0xE400] =	vst v63  }
0x4f: {  	_ =	swait.ge [sflag:s22], $0x2000  }
0x50: {  	[sflag:s22] =	ssyncset.done $0x0  }
0x51: {  	s29 =	sadd.s32 s28, s12;
	[sflag:s22] =	ssyncadd.s32 $0xFFFFE000  }
0x52: {  	[hbm4b:s29+s2] =	stream.linear.scatter [tilespmem:s19], [sflag:$0x2], $0x2000, $0x38;
	[tilespmem:$0xE400] =	vst v63  }
0x53: {  	_ =	swait.ge [sflag:s14], $0x2000  }
0x54: {  	[sflag:s14] =	ssyncset.done $0x0  }
0x55: {  	s29 =	sadd.s32 $0xFFFFFF80, s26;
	[sflag:s14] =	ssyncadd.s32 $0xFFFFE000  }
0x56: {  	[tilespmem:s19], [sflag:$0x1] =	stream.indirect.gather [hbm4b:s3+s15], $0x40, s29, s15, $0xb8;
	[tilespmem:$0xE400] =	vst v63  }
0x57: {  	_ =	swait.ge [sflag:s22], $0x2000  }
0x58: {  	[sflag:s22] =	ssyncset.done $0x0  }
.Ltmp0:
0x59: {  	s28 =	sadd.s32 s28, s11;
	[sflag:s22] =	ssyncadd.s32 $0xFFFFE000;
	(pc) =	sbr.rel @p0 .LBB2_2-.Ltmp0, $4  }
0x5a: {  	[hbm4b:s28+s2] =	stream.linear.scatter [tilespmem:s21], [sflag:$0x2], $0x2000, $0x38;
	[tilespmem:$0xE400] =	vst v63  }
0x5b: {  	_ =	swait.ge [sflag:s14], $0x2000  }
0x5c: {  	[sflag:s14] =	ssyncset.done $0x0  }
0x5d: {  	s26 =	sadd.s32 $0x200, s26;
	[sflag:s14] =	ssyncadd.s32 $0xFFFFE000  }
0x5e: {  	[tilespmem:s21], [sflag:$0x1] =	stream.indirect.gather [hbm4b:s3+s15], $0x40, s24, s15, $0xb8;
	[tilespmem:$0xE400] =	vst v63  }
0x5f: {  	_ =	swait.ge [sflag:s22], $0x2000  }
0x60: {  	[sflag:s22] =	ssyncset.done $0x0  }
0x61: {  	[sflag:s22] =	ssyncadd.s32 $0xFFFFE000  }
0x62: {  	[hbm4b:s5+s2] =	stream.linear.scatter [tilespmem:s16], [sflag:$0x2], $0x2000, $0x38;
	[tilespmem:$0xE400] =	vst v63  }
0x63: {  	_ =	swait.ge [sflag:s14], $0x2000  }
0x64: {  	[sflag:s14] =	ssyncset.done $0x0  }
0x65: {  	[sflag:s14] =	ssyncadd.s32 $0xFFFFE000  }
0x66: {  	_ =	swait.ge [sflag:s22], $0x2000  }
0x67: {  	[sflag:s22] =	ssyncset.done $0x0  }
0x68: {  	[sflag:s22] =	ssyncadd.s32 $0xFFFFE000  }
0x69: {  	[hbm4b:s6+s2] =	stream.linear.scatter [tilespmem:s17], [sflag:$0x2], $0x2000, $0x38;
	[tilespmem:$0xE400] =	vst v63  }
0x6a: {  	_ =	swait.ge [sflag:s14], $0x2000  }
0x6b: {  	[sflag:s14] =	ssyncset.done $0x0  }
0x6c: {  	[sflag:s14] =	ssyncadd.s32 $0xFFFFE000  }
0x6d: {  	_ =	swait.ge [sflag:s22], $0x2000  }
0x6e: {  	[sflag:s22] =	ssyncset.done $0x0  }
0x6f: {  	[sflag:s22] =	ssyncadd.s32 $0xFFFFE000  }
0x70: {  	[hbm4b:s7+s2] =	stream.linear.scatter [tilespmem:s19], [sflag:$0x2], $0x2000, $0x38;
	[tilespmem:$0xE400] =	vst v63  }
0x71: {  	_ =	swait.ge [sflag:s14], $0x2000  }
0x72: {  	[sflag:s14] =	ssyncset.done $0x0  }
0x73: {  	[sflag:s14] =	ssyncadd.s32 $0xFFFFE000  }
0x74: {  	s23 =	sadd.s32 $0x1, s23;
	_ =	swait.ge [sflag:s22], $0x2000  }
0x75: {  	p0 =	sne.s32 s23, s9;
	[sflag:s22] =	ssyncset.done $0x0  }
.Ltmp1:
0x76: {  	[sflag:s22] =	ssyncadd.s32 $0xFFFFE000;
	(pc) =	sbr.rel @p0 .LBB2_1-.Ltmp1, $4  }
0x77: {  	[hbm4b:s8+s2] =	stream.linear.scatter [tilespmem:s21], [sflag:$0x2], $0x2000, $0x38;
	[tilespmem:$0xE400] =	vst v63  }
0x78: {  	_ =	swait.ge [sflag:s14], $0x2000  }
0x79: {  	[sflag:s14] =	ssyncset.done $0x0  }
0x7a: {  	[sflag:s14] =	ssyncadd.s32 $0xFFFFE000  }
0x7b: {  	_ =	sfence.sel $0x180000  }
0x7c: {  	[bflag:$0x0] =	sbarrier.arrive $0xFFFF  }
0x7d: {  	p0 =	sne.s32 s0, $0x0;
	_ =	strace $0x90000047  }
0x7e: {  	s0 =	sadd.s32 @!p0 $0x100000, s1;
	[bflag:$0x2] =	sbarrier.arrive $0xFFFF  }
0x7f: {  	[sflag:s0] =	ssyncadd.tile.s32 @!p0 $0x1;
	_ =	shalt  }
.Lfunc_end2:
_tile_overlayer_lowered:
.L_overlay_start_2:
0x80: {  	(tag) =	ssettag $0x2  }
0x81: {  	s0 =	rddreg [dreg:$0x0];
	s2 =	stileid.u32  }
0x82: {  	s1 =	rddreg [dreg:$0x1];
	p0 =	sne.s32 s2, $0x0  }
0x83: {  	s3 =	rddreg [dreg:$0x2];
	[bflag:$0x3] =	sbarrier.arrive $0xFFFF;
	s2 =	simm.s32 @!p0 $0x1C02  }
0x84: {  	[timem:s3], [sflag:s2] =	dma.local @!p0 [hbm:s0], s1  }
0x85: {  	s0 =	simm.s32 @!p0 $0x2  }
0x86: {  	_ =	swait.ge @!p0 [sflag:s0], s1  }
0x87: {  	s1 =	ssub.s32 @!p0 $0x0, s1;
	[sflag:s0] =	ssyncset.done @!p0 $0x0  }
0x88: {  	[sflag:s0] =	ssyncadd.s32 @!p0 s1  }
0x89: {  	[bflag:$0x3] =	sbarrier.arrive $0xFFFF  }
0x8a: {  	_ =	shalt  }

// kernel: sparse-core-data-format-call.cloned.1.call-start
scs
called_computation_lowered:
.L_overlay_start_0:
0x0: {  	s2 =	sld [smem:$0x3FD9]  }
0x1: {  	s3 =	sld [smem:$0x3FFE];
	_ =	sdelay $0x1  }
0x2: {  	s1 =	srdreg.scid  }
0x3: {  	s0 =	sand.u32 $0x1, s1  }
0x4: {  	s18 =	sshll.u32 s0, $0xA;
	s2 =	sadd.s32 s3, s2  }
0x5: {  	s2 =	sadd.s32 s2, s18  }
0x6: {  	[smem:$0x3FC6] =	sst s2  }
0x7: {  	_ = 	snop  }
0x8: {  	s2 =	sld [smem:$0x3FD0];
	(tm) =	ssettm $0x1  }
0x9: {  	s19 =	sld [smem:$0x3FFB];
	_ =	sdelay $0x3  }
0xa: {  	_ =	strace s19  }
0xb: {  	s3 =	sld [smem:$0x3FFC];
	_ =	sdelay $0x3  }
0xc: {  	_ =	strace s3  }
0xd: {  	s3 =	sld [smem:$0x3FFD];
	_ =	sdelay $0x3  }
0xe: {  	_ =	strace s3  }
0xf: {  	_ =	strace $0x8FFFFFFF  }
0x10: {  	s20 =	sld [smem:$0x3FDB];
	_ =	sdelay $0x1  }
0x11: {  	s4 =	simm.s32 $_scs_section_size  }
0x12: {  	s5 =	simm.s32 $_size__tile_overlayer_lowered;
	s6 =	simm.s32 $_tile_overlayer_lowered  }
0x13: {  	s23 =	simm.s32 $0x1BFF;
	s22 =	sshll.u32 s6, $0x1;
	s3 =	sadd.s32 s4, s20  }
0x14: {  	s7 =	simm.s32 $0x0;
	s21 =	sshll.u32 s5, $0x1;
	s5 =	sadd.s32 s22, s3  }
0x15: {  	[timem:s7], [sflag:s23] =	dma.local [hbm:s5], s21  }
0x16: {  	_ =	swait.ge [sflag:s23], s21  }
0x17: {  	s4 =	ssub.s32 $0x0, s21;
	[sflag:s23] =	ssyncset.done $0x0  }
0x18: {  	[sflag:s23] =	ssyncadd.s32 s4;
	_ =	sdelay $0x1  }
0x19: {  	s24 =	simm.s32 $0x1B8B  }
0x1a: {  	_ =	swait.ge [sflag:s24], $0x1  }
0x1b: {  	[sflag:s24] =	ssyncset.done $0x0  }
0x1c: {  	s26 =	simm.s32 $0x1B8E;
	s25 =	sld [smem:$0x3FFE];
	[sflag:s24] =	ssyncadd.s32 $0xFFFFFFFF  }
0x1d: {  	s27 =	simm.s32 $execute0_lowered;
	[smem:$0x3FD2] =	sst s26  }
0x1e: {  	s5 =	sshll.u32 s27, $0x1;
	_ =	strace $0x80000049;
	[dreg:$0x1] =	wrdreg $0xFFFFFFFF  }
0x1f: {  	s28 =	simm.s32 $_size_execute0_lowered;
	s3 =	sadd.s32 s3, s5;
	[dreg:$0x0] =	wrdreg $0x0  }
0x20: {  	s5 =	sshll.u32 s28, $0x1;
	[dreg:$0x2] =	wrdreg s3  }
0x21: {  	[dreg:$0x3] =	wrdreg s5  }
0x22: {  	[dreg:$0x4] =	wrdreg $0xC0  }
0x23: {  	_ =	task [dreg:s7], $0x5FFFF  }
0x24: {  	[dreg:$0x1] =	wrdreg $0xFFFFFFFF  }
0x25: {  	[dreg:$0x0] =	wrdreg $0x60  }
0x26: {  	[dreg:$0x2] =	wrdreg s25  }
0x27: {  	[dreg:$0x3] =	wrdreg s2  }
0x28: {  	[dreg:$0x4] =	wrdreg $0x9  }
0x29: {  	_ =	task.clear_ibuf [dreg:s7], $0x5FFFF;
	_ =	strace $0x90000049  }
0x2a: {  	s29 =	simm.s32 $0x9;
	_ =	strace $0x8000004B  }
0x2b: {  	_ =	swait.ge [sflag:s29], $0x1  }
0x2c: {  	[sflag:s29] =	ssyncadd.s32 $0xFFFFFFFF  }
0x2d: {  	_ =	strace $0x9000004B  }
0x2e: {  	_ =	sfence  }
0x2f: {  	s30 =	sld [smem:$0x0];
	_ =	sdelay $0x2  }
0x30: {  	s31 =	sshll.u32 s1, $0xD;
	s1 =	sshrl.u32 s1, $0x2  }
0x31: {  	s3 =	sand.u32 $0x4000, s31;
	s1 =	sadd.s32 s1, s30  }
0x32: {  	s0 =	sor.u32 s3, s0;
	s1 =	sshll.u32 s1, $0x11  }
0x33: {  	s0 =	sor.u32 s1, s0  }
0x34: {  	s0 =	sadd.s32 $0x8F2B, s0  }
0x35: {  	[sflag:s0] =	ssyncadd.remote.s32 $0x1  }
0x36: {  	_ =	sfence.sel $0xFFFF  }
0x37: {  	[dreg:$0x0] =	wrdreg $0xFFFFFFFF;
	(pc) =	sbr.abs _section_cstart, $3  }
0x38: {  	[dreg:$0x1] =	wrdreg $0xFFFFFFFF  }
0x39: {  	_ =	task.clear_ibuf [dreg:s7], $0x2FFFF;
	_ =	strace $0x9FFFFFFF  }
0x3a: {  	(tm) =	ssettm $0x7FFFFFFF  }
0x3b: {  	_ =	shalt  }
tec
execute0_lowered:
.L_overlay_start_1:
0x0: {  	(tag) =	ssettag $0x1  }
0x1: {  	s0 =	srdreg.scid  }
0x2: {  	s1 =	sshll.u32 s0, $0x4  }
0x3: {  	s4 =	rddreg [dreg:$0x0];
	s0 =	stileid.u32;
	s1 =	sand.u32 $0x10, s1  }
0x4: {  	s2 =	rddreg [dreg:$0x1];
	s7 =	simm.s32 $0x1;
	s1 =	sor.u32 s0, s1  }
0x5: {  	s8 =	simm.s32 $0x2;
	s11 =	simm.s32 $0x0;
	s3 =	sshll.u32 s1, $0x7  }
0x6: {  	s10 =	simm.s32 $0x0;
	s4 =	sadd.s32 $0x800, s4;
	s6 =	ssub.s32 $0xC8000, s3  }
.Ltmp0:
0x7: {  	s1 =	rddreg [dreg:$0x2];
	s5 =	sand.u32 $0xF80, s6;
	(pc) =	sbr.rel .LBB1_1-.Ltmp0, $4  }
0x8: {  	_ =	strace $0x8000004A;
	s9 =	smov.u32 s3;
	p0 =	sne.s32 s5, $0x0  }
0x9: {  	s6 =	sshrl.u32 s6, $0xC;
	s5 =	simm.s32 $0x1;
	s7 =	simm.s32 @!p0 $0x0  }
0xa: {  	[sflag:s5] =	ssyncpa.u1 $0x0;
	p0 =	por $0x0, $0x0;
	s6 =	sadd.s32 s7, s6  }
0xb: {  	[sflag:s8] =	ssyncpa.u1 $0x0;
	s8 =	simm.s32 $0x640000;
	s7 =	sadd.s32 $0x1, s6  }
.LBB1_4:
0xc: {  	s14 =	sshll.u32 s11, $0x3  }
0xd: {  	s30 =	sand.u32 $0x7F, s11;
	s15 =	sand.u32 $0xFFFFFC00, s14  }
0xe: {  	s11 =	sor.u32 s30, s15  }
0xf: {  	s15 =	smulhi.u32 $0x51EB851F, s11  }
0x10: {  	s14 =	smulhi.u32 $0x51EB851F, s14  }
0x11: {  	s15 =	sshrl.u32 s15, $0x12  }
0x12: {  	s14 =	sshrl.u32 s14, $0x12;
	s15 =	smul.u32 $0xC8000, s15  }
0x13: {  	s14 =	sand.u32 $0x3F, s14  }
0x14: {  	s14 =	smul.u32 $0x19000, s14;
	s11 =	ssub.s32 s11, s15  }
0x15: {  	[tilespmem:s13+$0x810 ss:$0x81] =	vst.msk $0xffff, v2;
	s15 =	sand.u32 $0x7, s11  }
0x16: {  	[tilespmem:s13+$0x1020 ss:$0x81] =	vst.msk $0xffff, v0;
	s14 =	sadd.s32 s2, s14;
	s11 =	sshrl.u32 s11, $0x3;
	s15 =	sshll.u32 s15, $0x12  }
0x17: {  	[tilespmem:s13+$0x0 ss:$0x81] =	vst.msk $0xffff, v1;
	s11 =	sadd.s32 s11, s14;
	s31 =	sor.u32 $0x400, s15  }
0x18: {  	[hbm4b:s11+s31] =	stream.strided.scatter [tilespmem:s12], [sflag:$0x2], $0x2000, s8, s31, $0x20;
	[tilespmem:$0x8080] =	vst v63  }
.LBB1_5:
0x19: {  	s13 =	sadd.s32 $0x1000, s9  }
0x1a: {  	p2 =	sgt.s32 s13, $0xC7FFF  }
0x1b: {  	s13 =	smov.u32 @p2 s3;
	p2 =	sne.s32 s10, s7  }
.Ltmp1:
0x1c: {  	p1 =	slt.u32 s10, $0x2;
	(pc) =	sbr.rel @!p2 .LBB1_6-.Ltmp1, $4  }
0x1d: {  	s12 =	simm.s32 @!p1 $0x2  }
0x1e: {  	s14 =	sadd.s32 $0x1, s10;
	_ =	swait.ge @!p1 [sflag:s12], $0x2000  }
0x1f: {  	s11 =	smov.u32 s9;
	p0 =	por !p0, !p0;
	[sflag:s12] =	ssyncset.done @!p1 $0x0  }
0x20: {  	s10 =	smov.u32 s14;
	s9 =	smov.u32 s13;
	[sflag:s12] =	ssyncadd.s32 @!p1 $0xFFFFE000  }
.LBB1_1:
0x21: {  	p1 =	sge.u32 s10, s6  }
0x22: {  	s12 =	sand.u32 @!p1 $0x1FFFFFF, s9  }
0x23: {  	s13 =	smulhi.u32 @!p1 $0x147AE15, s12;
	_ =	sdelay $0x1  }
0x24: {  	s13 =	sshrl.u32 @!p1 s13, $0xC  }
0x25: {  	s13 =	smul.u32 @!p1 $0xC8000, s13;
	_ =	sdelay $0x1  }
0x26: {  	s31 =	sadd.s32 $0xFFFFFFFF, s10;
	s14 =	sxor.u32 @!p1 $0xFFFFFFFF, s10;
	s12 =	ssub.s32 @!p1 s12, s13  }
0x27: {  	s15 =	simm.s32 @!p1 $0x80;
	s14 =	sshll.u32 @!p1 s14, $0xD;
	s12 =	sshll.u32 @!p1 s12, $0x4  }
0x28: {  	s13 =	sand.u32 @!p1 $0x2000, s14;
	s14 =	simm.s32 @!p1 $0x40;
	s12 =	sadd.s32 @!p1 s4, s12  }
0x29: {  	[tilespmem:s13], [sflag:$0x1] =	stream.strided.gather @!p1 [hbm4b:s12+s14], $0x2000, s15, s14, $0x38;
	[tilespmem:$0x8080] =	vst v63  }
0x2a: {  	p1 =	sge.u32 s31, s6  }
.Ltmp2:
0x2b: {  	_ = 	snop;
	(pc) =	sbr.rel @p1 .LBB1_5-.Ltmp2, $1  }
0x2c: {  	_ =	sdelay $0x3  }
0x2d: {  	s12 =	simm.s32 $0x1  }
0x2e: {  	_ =	swait.ge [sflag:s5], $0x2000;
	s12 =	simm.s32 @!p0 $0x0  }
0x2f: {  	[sflag:s5] =	ssyncset.done $0x0;
	s13 =	sshll.u32 s12, $0xD  }
0x30: {  	[sflag:s5] =	ssyncadd.s32 $0xFFFFE000;
	s16 =	sor.u32 $0x20, s13  }
0x31: {  	s12 =	smul.u32 $0x8100, s12;
	v3 =	vld [tilespmem:s16+$0x10]  }
0x32: {  	s30 =	sand.u32 $0x1, s10;
	v2 =	vld [tilespmem:s16+$0xFFFFFFF0]  }
0x33: {  	s13 =	smul.u32 $0x8100, s30;
	s12 =	sshrl.u32 s12, $0x2;
	v0 =	vld [tilespmem:s16+$0x0]  }
0x34: {  	v1 =	vld [tilespmem:s16+$0xFFFFFFE0];
	s14 =	sor.u32 $0x4000, s12  }
0x35: {  	s31 =	sshrl.u32 s13, $0x2;
	s13 =	sadd.s32 $0x0, s14  }
0x36: {  	s15 =	simm.s32 $0x4;
	s16 =	sadd.s32 $0x40, s16;
	s12 =	sor.u32 $0x4000, s31;
	[tilespmem:s13+$0x1830 ss:$0x81] =	vst.msk $0xffff, v3  }
.LBB1_3:
0x37: {  	v3 =	vld [tilespmem:s16+$0x10];
	p1 =	sne.s32 s15, $0x1FC;
	[tilespmem:s13+$0x810 ss:$0x81] =	vst.msk $0xffff, v2;
	s17 =	smov.u32 s15;
	s15 =	sadd.s32 $0x4, s15  }
.Ltmp3:
0x38: {  	v2 =	vld [tilespmem:s16+$0xFFFFFFF0];
	[tilespmem:s13+$0x1020 ss:$0x81] =	vst.msk $0xffff, v0;
	(pc) =	sbr.rel @p1 .LBB1_3-.Ltmp3, $4  }
0x39: {  	v0 =	vld [tilespmem:s16+$0x0];
	[tilespmem:s13+$0x0 ss:$0x81] =	vst.msk $0xffff, v1  }
0x3a: {  	s13 =	sshra.s32 s17, $0x2;
	v1 =	vld [tilespmem:s16+$0xFFFFFFE0]  }
0x3b: {  	s13 =	sadd.s32 s13, s14  }
0x3c: {  	s16 =	sadd.s32 $0x40, s16;
	[tilespmem:s13+$0x1830 ss:$0x81] =	vst.msk $0xffff, v3  }
.Ltmp4:
0x3d: {  	_ = 	snop;
	(pc) =	sbr.rel .LBB1_4-.Ltmp4, $1  }
0x3e: {  	_ =	sdelay $0x3  }
.LBB1_6:
0x3f: {  	_ =	sfence.sel $0x180000  }
0x40: {  	s2 =	simm.s32 $0x1;
	[bflag:$0x0] =	sbarrier.arrive $0xFFFF  }
0x41: {  	s31 =	simm.s32 $0x2;
	[sflag:s2] =	ssyncpa.u1 $0x1  }
0x42: {  	[sflag:s31] =	ssyncpa.u1 $0x1  }
0x43: {  	p0 =	sne.s32 s0, $0x0;
	_ =	strace $0x9000004A  }
0x44: {  	s0 =	sadd.s32 @!p0 $0x100000, s1;
	[bflag:$0x2] =	sbarrier.arrive $0xFFFF  }
0x45: {  	[sflag:s0] =	ssyncadd.tile.s32 @!p0 $0x1;
	_ =	shalt  }
.Lfunc_end1:
_tile_overlayer_lowered:
.L_overlay_start_2:
0x46: {  	(tag) =	ssettag $0x2  }
0x47: {  	s0 =	rddreg [dreg:$0x0];
	s2 =	stileid.u32  }
0x48: {  	s1 =	rddreg [dreg:$0x1];
	p0 =	sne.s32 s2, $0x0  }
0x49: {  	s3 =	rddreg [dreg:$0x2];
	[bflag:$0x3] =	sbarrier.arrive $0xFFFF;
	s2 =	simm.s32 @!p0 $0x1C01  }
0x4a: {  	[timem:s3], [sflag:s2] =	dma.local @!p0 [hbm:s0], s1  }
0x4b: {  	s0 =	simm.s32 @!p0 $0x1  }
0x4c: {  	_ =	swait.ge @!p0 [sflag:s0], s1  }
0x4d: {  	s1 =	ssub.s32 @!p0 $0x0, s1;
	[sflag:s0] =	ssyncset.done @!p0 $0x0  }
0x4e: {  	[sflag:s0] =	ssyncadd.s32 @!p0 s1  }
0x4f: {  	[bflag:$0x3] =	sbarrier.arrive $0xFFFF  }
0x50: {  	_ =	shalt  }

</sc_bundles>
